<compile_context>
chip_gen: v7x
topology: tpu7x:2x2x1
jax: 0.10.2.dev20260603
libtpu: 0.0.44.dev20260713+nightly
codegen_flags: <defaults>
</compile_context>

<pallas_src>
import jax
import jax.numpy as jnp
from jax import lax
from jax.experimental import pallas as pl
from jax.experimental.pallas import tpu as pltpu
from jax.experimental.pallas import tpu_sc as plsc

N = 10000
E = 160000
D = 256
OUT = 128

E2 = E // 2

_DOT_T = (((1,), (1,)), ((), ()))


EB = 16000
NSTEPS = E2 // EB
EIB = 2 * E // NSTEPS


def _make_scores(half):
    step0 = half * NSTEPS
    emit_ei = half == 0

    def _body(x_ref, wa_ref, syn_ref, *rest):
        if emit_ei:
            ei_ref, scores_ref, m_ref, ei_out, q_s, m_s = rest
        else:
            scores_ref, m_ref, q_s, m_s = rest
        i = pl.program_id(0)

        @pl.when(i == 0)
        def _():
            q_s[...] = lax.dot_general(x_ref[0:1], wa_ref[...], _DOT_T,
                                       preferred_element_type=jnp.float32)

        s = lax.dot_general(q_s[...], syn_ref[...], _DOT_T,
                            preferred_element_type=jnp.float32)
        scores_ref[pl.ds(i * EB, EB)] = s[0]
        bm = jnp.max(s, axis=1, keepdims=True)

        if emit_ei:
            half_b = EIB // 2
            ei_out[pl.ds(i * half_b, half_b)] = ei_ref[0]
            ei_out[pl.ds(E + i * half_b, half_b)] = ei_ref[1]

        @pl.when(i == 0)
        def _():
            m_s[...] = bm

        @pl.when(i > 0)
        def _():
            m_s[...] = jnp.maximum(m_s[...], bm)

        @pl.when(i == NSTEPS - 1)
        def _():
            m_ref[...] = jnp.broadcast_to(m_s[...], (1, 16))

    in_specs = [
        pl.BlockSpec((8, D), lambda i: (0, 0)),
        pl.BlockSpec((D, D), lambda i: (0, 0)),
        pl.BlockSpec((EB, D), lambda i: (i + step0, 0)),
    ]
    out_specs = [
        pl.BlockSpec((E2,), lambda i: (0,)),
        pl.BlockSpec((1, 16), lambda i: (0, 0)),
    ]
    out_shape = [
        jax.ShapeDtypeStruct((E2,), jnp.float32),
        jax.ShapeDtypeStruct((1, 16), jnp.float32),
    ]
    if emit_ei:
        in_specs.append(pl.BlockSpec((2, EIB // 2), lambda i: (0, i)))
        out_specs.append(pl.BlockSpec((2 * E,), lambda i: (0,)))
        out_shape.append(jax.ShapeDtypeStruct((2 * E,), jnp.int32))

    def _call(x, wa, syn, ei=None):
        args = (x, wa, syn) + ((ei,) if emit_ei else ())
        return pl.pallas_call(
            _body,
            grid=(NSTEPS,),
            in_specs=in_specs,
            out_specs=out_specs,
            out_shape=out_shape,
            scratch_shapes=[
                pltpu.VMEM((1, D), jnp.float32),
                pltpu.VMEM((1, 1), jnp.float32),
            ],
        )(*args)

    return _call


_scores_a = _make_scores(0)
_scores_b = _make_scores(1)



NC = 2
NS = 16
NW = NC * NS
CHUNK = (E2 // NW) // 8 * 8
EXTRA = E2 - NW * CHUNK
BUF = CHUNK + EXTRA
NVEC = BUF // 16


def _make_scatter(off):

    def _body(scores_hbm, ei_hbm, m_hbm,
              pdeg_hbm, pu_hbm,
              sc_v, src_v, dst_v, m_v, acc_deg, acc_u):
        wid = lax.axis_index("s") * NC + lax.axis_index("c")
        base = wid * CHUNK

        def fill_body(i, carry):
            sc_v[pl.ds(i * 16, 16)] = jnp.full((16,), -1e30, jnp.float32)
            src_v[pl.ds(i * 16, 16)] = jnp.zeros((16,), jnp.int32)
            dst_v[pl.ds(i * 16, 16)] = jnp.zeros((16,), jnp.int32)
            return carry

        lax.fori_loop(CHUNK // 16, NVEC, fill_body, 0)

        pltpu.sync_copy(scores_hbm.at[pl.ds(base, CHUNK)],
                        sc_v.at[pl.ds(0, CHUNK)])
        pltpu.sync_copy(ei_hbm.at[pl.ds(off + base, CHUNK)],
                        src_v.at[pl.ds(0, CHUNK)])
        pltpu.sync_copy(ei_hbm.at[pl.ds(E + off + base, CHUNK)],
                        dst_v.at[pl.ds(0, CHUNK)])
        pltpu.sync_copy(m_hbm.at[0], m_v)

        @pl.when(wid == 0)
        def _():
            tail = NW * CHUNK
            pltpu.sync_copy(scores_hbm.at[pl.ds(tail, EXTRA)],
                            sc_v.at[pl.ds(CHUNK, EXTRA)])
            pltpu.sync_copy(ei_hbm.at[pl.ds(off + tail, EXTRA)],
                            src_v.at[pl.ds(CHUNK, EXTRA)])
            pltpu.sync_copy(ei_hbm.at[pl.ds(E + off + tail, EXTRA)],
                            dst_v.at[pl.ds(CHUNK, EXTRA)])

        def zero_body(i, carry):
            z = jnp.zeros((16,), jnp.float32)
            acc_deg[pl.ds(i * 16, 16)] = z
            acc_u[pl.ds(i * 16, 16)] = z
            return carry

        lax.fori_loop(0, N // 16, zero_body, 0)

        mv = m_v[...]

        def body(j, carry):
            o = j * 16
            ewu = jnp.exp(sc_v[pl.ds(o, 16)] - mv)
            dstv = dst_v[pl.ds(o, 16)]
            srcv = src_v[pl.ds(o, 16)]
            plsc.addupdate_scatter(acc_deg, [dstv], ewu)
            v0 = jnp.where(dstv == 0, ewu, jnp.zeros((16,), jnp.float32))
            plsc.addupdate_scatter(acc_u, [srcv], v0)
            return carry

        lax.fori_loop(0, NVEC, body, 0)

        pltpu.sync_copy(acc_deg, pdeg_hbm.at[wid])
        pltpu.sync_copy(acc_u, pu_hbm.at[wid])

    return pl.kernel(
        _body,
        out_type=[
            jax.ShapeDtypeStruct((NW, N), jnp.float32),
            jax.ShapeDtypeStruct((NW, N), jnp.float32),
        ],
        mesh=plsc.VectorSubcoreMesh(core_axis_name="c", subcore_axis_name="s",
                                    num_cores=NC, num_subcores=NS),
        compiler_params=pltpu.CompilerParams(needs_layout_passes=False),
        scratch_types=[
            pltpu.VMEM((BUF,), jnp.float32),
            pltpu.VMEM((BUF,), jnp.int32),
            pltpu.VMEM((BUF,), jnp.int32),
            pltpu.VMEM((16,), jnp.float32),
            pltpu.VMEM((N,), jnp.float32),
            pltpu.VMEM((N,), jnp.float32),
        ],
    )


_scatter_a = _make_scatter(0)
_scatter_b = _make_scatter(E2)



def _final_body(pdega_ref, pua_ref, pdegb_ref, pub_ref, ma_ref, mb_ref,
                x_ref, wg_ref, bg_ref, subj_ref, obj_ref,
                wo_ref, bo_ref, out_ref):
    ma = ma_ref[:, :1]
    mb = mb_ref[:, :1]
    mm = jnp.maximum(ma, mb)
    sa = jnp.exp(ma - mm)
    sb = jnp.exp(mb - mm)
    deg_star = (sa * jnp.sum(pdega_ref[...], axis=0, keepdims=True)
                + sb * jnp.sum(pdegb_ref[...], axis=0, keepdims=True))
    u_star = (sa * jnp.sum(pua_ref[...], axis=0, keepdims=True)
              + sb * jnp.sum(pub_ref[...], axis=0, keepdims=True))
    z = jnp.sum(deg_star, axis=1, keepdims=True)
    deg = deg_star / z + 1.0
    diz = lax.rsqrt(deg)
    a = diz * (u_star / z)
    iota = lax.broadcasted_iota(jnp.int32, a.shape, 1)
    a = a + jnp.where(iota == 0, diz, 0.0)
    pre = jnp.dot(a, x_ref[...], preferred_element_type=jnp.float32)
    o0 = diz[:, :1] * lax.dot_general(pre, wg_ref[...], _DOT_T,
                                      preferred_element_type=jnp.float32)
    o0 = o0 + bg_ref[...]
    cat = jnp.concatenate([o0, subj_ref[...], obj_ref[...]], axis=1)
    logits = lax.dot_general(cat, wo_ref[...], _DOT_T,
                             preferred_element_type=jnp.float32) + bo_ref[...]
    ls = logits - jnp.max(logits, axis=1, keepdims=True)
    out_ref[...] = ls - jnp.log(jnp.sum(jnp.exp(ls), axis=1, keepdims=True))


def _final_call(pdega, pua, pdegb, pub, ma, mb, x, wg, bg, subj, obj, wo, bo):
    return pl.pallas_call(
        _final_body,
        out_shape=jax.ShapeDtypeStruct((1, OUT), jnp.float32),
    )(pdega, pua, pdegb, pub, ma, mb, x, wg, bg, subj, obj, wo, bo)



def kernel(encoder_outputs, syn_embeddeds, subj, obj, edge_index,
           W_attn, W_gcn, b_gcn, W_out, b_out):
    scores_a, ma, ei_lin = _scores_a(encoder_outputs, W_attn, syn_embeddeds,
                                     edge_index)
    pdega, pua = _scatter_a(scores_a, ei_lin, ma)
    scores_b, mb = _scores_b(encoder_outputs, W_attn, syn_embeddeds)
    pdegb, pub = _scatter_b(scores_b, ei_lin, mb)
    out = _final_call(pdega, pua, pdegb, pub, ma, mb,
                      encoder_outputs, W_gcn,
                      b_gcn.reshape(1, D), subj.reshape(1, D),
                      obj.reshape(1, D), W_out, b_out.reshape(1, OUT))
    return out

# --- scband reference (transcript-rebuilt; emitter-appended) ---
"""Pipeline reference for scband-classifier-28475633172624 (READ-ONLY COPY).

The authoritative reference and input builder live on the scoring server;
editing this copy changes nothing except your own understanding.
"""

import jax, jax.numpy as jnp
import numpy as np

N = 10000
E = 160000
D = 256
OUT = 128


def _gcn_conv(x, edge_index, edge_weight, W_gcn, b_gcn):
    # Faithful PyG GCNConv with edge_weight: add self-loops (weight 1),
    # symmetric normalization D^-1/2 (A+I) D^-1/2, then aggregate x @ W.T at dst.
    n = x.shape[0]
    src = edge_index[0]
    dst = edge_index[1]
    loop = jnp.arange(n, dtype=src.dtype)
    src = jnp.concatenate([src, loop])
    dst = jnp.concatenate([dst, loop])
    ew = jnp.concatenate([edge_weight, jnp.ones((n,), dtype=x.dtype)])
    deg = jax.ops.segment_sum(ew, dst, num_segments=n)
    deg_inv_sqrt = jnp.where(deg > 0, deg ** -0.5, 0.0)
    norm = deg_inv_sqrt[src] * ew * deg_inv_sqrt[dst]
    h = x @ W_gcn.T
    msg = h[src] * norm[:, None]
    out = jax.ops.segment_sum(msg, dst, num_segments=n)
    return out + b_gcn


def setup_inputs(seed: int = 0):
    key = jax.random.key(seed)
    ks = jax.random.split(key, 10)
    return {
        "encoder_outputs": jax.random.normal(ks[0], (N, D), dtype=jnp.float32),
        "syn_embeddeds": jax.random.normal(ks[1], (E, D), dtype=jnp.float32),
        "subj": jax.random.normal(ks[2], (D,), dtype=jnp.float32),
        "obj": jax.random.normal(ks[3], (D,), dtype=jnp.float32),
        "edge_index": jax.random.randint(ks[4], (2, E), 0, N, dtype=jnp.int32),
        "W_attn": jax.random.normal(ks[5], (D, D), dtype=jnp.float32) * 0.05,
        "W_gcn": jax.random.normal(ks[6], (D, D), dtype=jnp.float32) * 0.05,
        "b_gcn": jnp.zeros((D,), dtype=jnp.float32),
        "W_out": jax.random.normal(ks[7], (OUT, 3 * D), dtype=jnp.float32) * 0.05,
        "b_out": jnp.zeros((OUT,), dtype=jnp.float32),
    }


def reference(encoder_outputs, syn_embeddeds, subj, obj, edge_index, W_attn, W_gcn, b_gcn, W_out, b_out):
    # edge_weights = softmax( attn(encoder_outputs[0]) @ syn_embeddeds.T , dim=1 )
    q = encoder_outputs[0].reshape(1, -1) @ W_attn.T  # [1, D]
    scores = q @ syn_embeddeds.T                      # [1, E]
    edge_weights = jax.nn.softmax(scores, axis=1)[0]  # [E]
    outputs = _gcn_conv(encoder_outputs, edge_index, edge_weights, W_gcn, b_gcn)
    cat = jnp.concatenate([outputs[0], subj, obj])    # [3D]
    logits = cat @ W_out.T + b_out                    # [OUT]
    out = jax.nn.log_softmax(logits, axis=0)
    return out[None, :]

if __name__ == "__main__":
    import jax
    _d = setup_inputs()
    print(jax.jit(kernel)(*tuple(_d.values())))

</pallas_src>

<mosaic_0001>
#map = affine_map<(d0, d1) -> (0)>
#map1 = affine_map<(d0, d1) -> (0, 0)>
module attributes {stable_mosaic.version = 14 : i64} {
  func.func @_body(%arg0: i32, %arg1: i32, %arg2: memref<80000xf32, #tpu.memory_space<hbm>>, %arg3: memref<320000xi32, #tpu.memory_space<hbm>>, %arg4: memref<1x16xf32, #tpu.memory_space<hbm>>, %arg5: memref<32x10000xf32, #tpu.memory_space<hbm>>, %arg6: memref<32x10000xf32, #tpu.memory_space<hbm>>, %arg7: memref<2624xf32, #tpu.memory_space<vmem>>, %arg8: memref<2624xi32, #tpu.memory_space<vmem>>, %arg9: memref<2624xi32, #tpu.memory_space<vmem>>, %arg10: memref<16xf32, #tpu.memory_space<vmem>>, %arg11: memref<10000xf32, #tpu.memory_space<vmem>>, %arg12: memref<10000xf32, #tpu.memory_space<vmem>>) attributes {dimension_semantics = [#tpu.dimension_semantics<core_parallel>, #tpu.dimension_semantics<subcore_parallel>], iteration_bounds = array<i64: 2, 16>, scalar_prefetch = 0 : i64, scratch_operands = 6 : i64, tpu.core_type = #tpu.core_type<sc_vector_subcore>, window_params = [{transform_indices = #map}, {transform_indices = #map}, {transform_indices = #map1}, {transform_indices = #map1}, {transform_indices = #map1}]} {
    %mul3A = arith.constant 2 : i32
    %mul3A_0 = arith.muli %arg1, %mul3A : i32
    %add3A = arith.addi %mul3A_0, %arg0 : i32
    %mul3A_1 = arith.constant 2496 : i32
    %mul3A_2 = arith.muli %add3A, %mul3A_1 : i32
    %scan3A = arith.constant 0 : i32
    %scan3A_3 = arith.constant 156 : i32
    %scan3A_4 = arith.constant 8 : i32
    %scan3A_5 = arith.addi %scan3A_3, %scan3A_4 : i32
    %scan3A_6 = arith.constant 1 : i32
    scf.for %scan3A_27 = %scan3A_3 to %scan3A_5 step %scan3A_6  : i32 {
      %broadcast_in_dim3A = arith.constant -1.000000e+30 : f32
      %broadcast_in_dim3A_28 = vector.broadcast %broadcast_in_dim3A : f32 to vector<16xf32>
      %mul3A_29 = arith.constant 16 : i32
      %mul3A_30 = arith.muli %scan3A_27, %mul3A_29 : i32
      %swap3A = arith.index_cast %mul3A_30 : i32 to index
      %swap3A_31 = tpu.vector_load %arg7[%swap3A] {strides = array<i32>} : memref<2624xf32, #tpu.memory_space<vmem>>, vector<16xf32>,
      tpu.vector_store %arg7[%swap3A], %broadcast_in_dim3A_28 {strides = array<i32>} : memref<2624xf32, #tpu.memory_space<vmem>>, vector<16xf32>,
      %broadcast_in_dim3A_32 = arith.constant 0 : i32
      %broadcast_in_dim3A_33 = vector.broadcast %broadcast_in_dim3A_32 : i32 to vector<16xi32>
      %mul3A_34 = arith.constant 16 : i32
      %mul3A_35 = arith.muli %scan3A_27, %mul3A_34 : i32
      %swap3A_36 = arith.index_cast %mul3A_35 : i32 to index
      %swap3A_37 = tpu.vector_load %arg8[%swap3A_36] {strides = array<i32>} : memref<2624xi32, #tpu.memory_space<vmem>>, vector<16xi32>,
      tpu.vector_store %arg8[%swap3A_36], %broadcast_in_dim3A_33 {strides = array<i32>} : memref<2624xi32, #tpu.memory_space<vmem>>, vector<16xi32>,
      %broadcast_in_dim3A_38 = arith.constant 0 : i32
      %broadcast_in_dim3A_39 = vector.broadcast %broadcast_in_dim3A_38 : i32 to vector<16xi32>
      %mul3A_40 = arith.constant 16 : i32
      %mul3A_41 = arith.muli %scan3A_27, %mul3A_40 : i32
      %swap3A_42 = arith.index_cast %mul3A_41 : i32 to index
      %swap3A_43 = tpu.vector_load %arg9[%swap3A_42] {strides = array<i32>} : memref<2624xi32, #tpu.memory_space<vmem>>, vector<16xi32>,
      tpu.vector_store %arg9[%swap3A_42], %broadcast_in_dim3A_39 {strides = array<i32>} : memref<2624xi32, #tpu.memory_space<vmem>>, vector<16xi32>,
    }
    %scan3A_7 = arith.constant 8 : i32
    "tpu.region"() ({
      %run_scoped3A_27 = tpu.sem_alloc : memref<!tpu.dma_semaphore, #tpu.memory_space<semaphore_mem>>
      %dma_start3A = arith.constant 0 : i32
      %dma_start3A_28 = tpu.memref_slice %arg7[%dma_start3A] : memref<2624xf32, #tpu.memory_space<vmem>> -> memref<2496xf32, #tpu.memory_space<vmem>>
      %dma_start3A_29 = tpu.memref_slice %arg2[%mul3A_2] : memref<80000xf32, #tpu.memory_space<hbm>> -> memref<2496xf32, #tpu.memory_space<hbm>>
      %dma_start3A_30 = arith.constant 0 : i32
      %dma_start3A_31 = tpu.memref_slice %arg7[%dma_start3A_30] : memref<2624xf32, #tpu.memory_space<vmem>> -> memref<2496xf32, #tpu.memory_space<vmem>>
      %dma_start3A_32 = tpu.memref_slice %arg2[%mul3A_2] : memref<80000xf32, #tpu.memory_space<hbm>> -> memref<2496xf32, #tpu.memory_space<hbm>>
      tpu.enqueue_dma source(%dma_start3A_32 : memref<2496xf32, #tpu.memory_space<hbm>>) target(%dma_start3A_31 : memref<2496xf32, #tpu.memory_space<vmem>>) target_semaphore(%run_scoped3A_27 : memref<!tpu.dma_semaphore, #tpu.memory_space<semaphore_mem>>)
      %dma_wait3A = arith.constant 0 : i32
      %dma_wait3A_33 = tpu.memref_slice %arg7[%dma_wait3A] : memref<2624xf32, #tpu.memory_space<vmem>> -> memref<2496xf32, #tpu.memory_space<vmem>>
      %dma_wait3A_34 = tpu.memref_slice %arg2[%mul3A_2] : memref<80000xf32, #tpu.memory_space<hbm>> -> memref<2496xf32, #tpu.memory_space<hbm>>
      %dma_wait3A_35 = arith.constant 0 : i32
      %dma_wait3A_36 = tpu.memref_slice %arg7[%dma_wait3A_35] : memref<2624xf32, #tpu.memory_space<vmem>> -> memref<2496xf32, #tpu.memory_space<vmem>>
      %dma_wait3A_37 = tpu.memref_slice %arg2[%mul3A_2] : memref<80000xf32, #tpu.memory_space<hbm>> -> memref<2496xf32, #tpu.memory_space<hbm>>
      tpu.wait_dma2 semaphore(%run_scoped3A_27 : memref<!tpu.dma_semaphore, #tpu.memory_space<semaphore_mem>>) src(%dma_wait3A_37 : memref<2496xf32, #tpu.memory_space<hbm>>) dst(%dma_wait3A_36 : memref<2496xf32, #tpu.memory_space<vmem>>)
      tpu.yield
    }) : () -> ()
    %add3A_8 = arith.constant 80000 : i32
    %add3A_9 = arith.addi %add3A_8, %mul3A_2 : i32
    "tpu.region"() ({
      %run_scoped3A_27 = tpu.sem_alloc : memref<!tpu.dma_semaphore, #tpu.memory_space<semaphore_mem>>
      %dma_start3A = arith.constant 0 : i32
      %dma_start3A_28 = tpu.memref_slice %arg8[%dma_start3A] : memref<2624xi32, #tpu.memory_space<vmem>> -> memref<2496xi32, #tpu.memory_space<vmem>>
      %dma_start3A_29 = tpu.memref_slice %arg3[%add3A_9] : memref<320000xi32, #tpu.memory_space<hbm>> -> memref<2496xi32, #tpu.memory_space<hbm>>
      %dma_start3A_30 = arith.constant 0 : i32
      %dma_start3A_31 = tpu.memref_slice %arg8[%dma_start3A_30] : memref<2624xi32, #tpu.memory_space<vmem>> -> memref<2496xi32, #tpu.memory_space<vmem>>
      %dma_start3A_32 = tpu.memref_slice %arg3[%add3A_9] : memref<320000xi32, #tpu.memory_space<hbm>> -> memref<2496xi32, #tpu.memory_space<hbm>>
      tpu.enqueue_dma source(%dma_start3A_32 : memref<2496xi32, #tpu.memory_space<hbm>>) target(%dma_start3A_31 : memref<2496xi32, #tpu.memory_space<vmem>>) target_semaphore(%run_scoped3A_27 : memref<!tpu.dma_semaphore, #tpu.memory_space<semaphore_mem>>)
      %dma_wait3A = arith.constant 0 : i32
      %dma_wait3A_33 = tpu.memref_slice %arg8[%dma_wait3A] : memref<2624xi32, #tpu.memory_space<vmem>> -> memref<2496xi32, #tpu.memory_space<vmem>>
      %dma_wait3A_34 = tpu.memref_slice %arg3[%add3A_9] : memref<320000xi32, #tpu.memory_space<hbm>> -> memref<2496xi32, #tpu.memory_space<hbm>>
      %dma_wait3A_35 = arith.constant 0 : i32
      %dma_wait3A_36 = tpu.memref_slice %arg8[%dma_wait3A_35] : memref<2624xi32, #tpu.memory_space<vmem>> -> memref<2496xi32, #tpu.memory_space<vmem>>
      %dma_wait3A_37 = tpu.memref_slice %arg3[%add3A_9] : memref<320000xi32, #tpu.memory_space<hbm>> -> memref<2496xi32, #tpu.memory_space<hbm>>
      tpu.wait_dma2 semaphore(%run_scoped3A_27 : memref<!tpu.dma_semaphore, #tpu.memory_space<semaphore_mem>>) src(%dma_wait3A_37 : memref<2496xi32, #tpu.memory_space<hbm>>) dst(%dma_wait3A_36 : memref<2496xi32, #tpu.memory_space<vmem>>)
      tpu.yield
    }) : () -> ()
    %add3A_10 = arith.constant 240000 : i32
    %add3A_11 = arith.addi %add3A_10, %mul3A_2 : i32
    "tpu.region"() ({
      %run_scoped3A_27 = tpu.sem_alloc : memref<!tpu.dma_semaphore, #tpu.memory_space<semaphore_mem>>
      %dma_start3A = arith.constant 0 : i32
      %dma_start3A_28 = tpu.memref_slice %arg9[%dma_start3A] : memref<2624xi32, #tpu.memory_space<vmem>> -> memref<2496xi32, #tpu.memory_space<vmem>>
      %dma_start3A_29 = tpu.memref_slice %arg3[%add3A_11] : memref<320000xi32, #tpu.memory_space<hbm>> -> memref<2496xi32, #tpu.memory_space<hbm>>
      %dma_start3A_30 = arith.constant 0 : i32
      %dma_start3A_31 = tpu.memref_slice %arg9[%dma_start3A_30] : memref<2624xi32, #tpu.memory_space<vmem>> -> memref<2496xi32, #tpu.memory_space<vmem>>
      %dma_start3A_32 = tpu.memref_slice %arg3[%add3A_11] : memref<320000xi32, #tpu.memory_space<hbm>> -> memref<2496xi32, #tpu.memory_space<hbm>>
      tpu.enqueue_dma source(%dma_start3A_32 : memref<2496xi32, #tpu.memory_space<hbm>>) target(%dma_start3A_31 : memref<2496xi32, #tpu.memory_space<vmem>>) target_semaphore(%run_scoped3A_27 : memref<!tpu.dma_semaphore, #tpu.memory_space<semaphore_mem>>)
      %dma_wait3A = arith.constant 0 : i32
      %dma_wait3A_33 = tpu.memref_slice %arg9[%dma_wait3A] : memref<2624xi32, #tpu.memory_space<vmem>> -> memref<2496xi32, #tpu.memory_space<vmem>>
      %dma_wait3A_34 = tpu.memref_slice %arg3[%add3A_11] : memref<320000xi32, #tpu.memory_space<hbm>> -> memref<2496xi32, #tpu.memory_space<hbm>>
      %dma_wait3A_35 = arith.constant 0 : i32
      %dma_wait3A_36 = tpu.memref_slice %arg9[%dma_wait3A_35] : memref<2624xi32, #tpu.memory_space<vmem>> -> memref<2496xi32, #tpu.memory_space<vmem>>
      %dma_wait3A_37 = tpu.memref_slice %arg3[%add3A_11] : memref<320000xi32, #tpu.memory_space<hbm>> -> memref<2496xi32, #tpu.memory_space<hbm>>
      tpu.wait_dma2 semaphore(%run_scoped3A_27 : memref<!tpu.dma_semaphore, #tpu.memory_space<semaphore_mem>>) src(%dma_wait3A_37 : memref<2496xi32, #tpu.memory_space<hbm>>) dst(%dma_wait3A_36 : memref<2496xi32, #tpu.memory_space<vmem>>)
      tpu.yield
    }) : () -> ()
    %run_scoped3A = arith.constant 0 : i32
    "tpu.region"() ({
      %run_scoped3A_27 = tpu.sem_alloc : memref<!tpu.dma_semaphore, #tpu.memory_space<semaphore_mem>>
      %dma_start3A = arith.constant 0 : i32
      %dma_start3A_28 = tpu.memref_slice %arg4[%run_scoped3A, %dma_start3A] : memref<1x16xf32, #tpu.memory_space<hbm>> -> memref<1x16xf32, #tpu.memory_space<hbm>>
      %dma_start3A_29 = tpu.memref_squeeze %dma_start3A_28 : memref<1x16xf32, #tpu.memory_space<hbm>> -> memref<16xf32, #tpu.memory_space<hbm>>
      %dma_start3A_30 = arith.constant 0 : i32
      %dma_start3A_31 = tpu.memref_slice %arg4[%run_scoped3A, %dma_start3A_30] : memref<1x16xf32, #tpu.memory_space<hbm>> -> memref<1x16xf32, #tpu.memory_space<hbm>>
      %dma_start3A_32 = tpu.memref_squeeze %dma_start3A_31 : memref<1x16xf32, #tpu.memory_space<hbm>> -> memref<16xf32, #tpu.memory_space<hbm>>
      tpu.enqueue_dma source(%dma_start3A_32 : memref<16xf32, #tpu.memory_space<hbm>>) target(%arg10 : memref<16xf32, #tpu.memory_space<vmem>>) target_semaphore(%run_scoped3A_27 : memref<!tpu.dma_semaphore, #tpu.memory_space<semaphore_mem>>)
      %dma_wait3A = arith.constant 0 : i32
      %dma_wait3A_33 = tpu.memref_slice %arg4[%run_scoped3A, %dma_wait3A] : memref<1x16xf32, #tpu.memory_space<hbm>> -> memref<1x16xf32, #tpu.memory_space<hbm>>
      %dma_wait3A_34 = tpu.memref_squeeze %dma_wait3A_33 : memref<1x16xf32, #tpu.memory_space<hbm>> -> memref<16xf32, #tpu.memory_space<hbm>>
      %dma_wait3A_35 = arith.constant 0 : i32
      %dma_wait3A_36 = tpu.memref_slice %arg4[%run_scoped3A, %dma_wait3A_35] : memref<1x16xf32, #tpu.memory_space<hbm>> -> memref<1x16xf32, #tpu.memory_space<hbm>>
      %dma_wait3A_37 = tpu.memref_squeeze %dma_wait3A_36 : memref<1x16xf32, #tpu.memory_space<hbm>> -> memref<16xf32, #tpu.memory_space<hbm>>
      tpu.wait_dma2 semaphore(%run_scoped3A_27 : memref<!tpu.dma_semaphore, #tpu.memory_space<semaphore_mem>>) src(%dma_wait3A_37 : memref<16xf32, #tpu.memory_space<hbm>>) dst(%arg10 : memref<16xf32, #tpu.memory_space<vmem>>)
      tpu.yield
    }) : () -> ()
    %eq3A = arith.constant 0 : i32
    %eq3A_12 = arith.cmpi eq, %add3A, %eq3A : i32
    %convert_element_type3A = arith.extui %eq3A_12 : i1 to i32
    %cond3A = arith.constant 0 : i32
    %cond3A_13 = arith.cmpi ne, %convert_element_type3A, %cond3A : i32
    scf.if %cond3A_13 {
      "tpu.region"() ({
        %run_scoped3A_27 = tpu.sem_alloc : memref<!tpu.dma_semaphore, #tpu.memory_space<semaphore_mem>>
        %dma_start3A = arith.constant 2496 : i32
        %dma_start3A_28 = tpu.memref_slice %arg7[%dma_start3A] : memref<2624xf32, #tpu.memory_space<vmem>> -> memref<128xf32, #tpu.memory_space<vmem>>
        %dma_start3A_29 = arith.constant 79872 : i32
        %dma_start3A_30 = tpu.memref_slice %arg2[%dma_start3A_29] : memref<80000xf32, #tpu.memory_space<hbm>> -> memref<128xf32, #tpu.memory_space<hbm>>
        %dma_start3A_31 = arith.constant 2496 : i32
        %dma_start3A_32 = tpu.memref_slice %arg7[%dma_start3A_31] : memref<2624xf32, #tpu.memory_space<vmem>> -> memref<128xf32, #tpu.memory_space<vmem>>
        %dma_start3A_33 = arith.constant 79872 : i32
        %dma_start3A_34 = tpu.memref_slice %arg2[%dma_start3A_33] : memref<80000xf32, #tpu.memory_space<hbm>> -> memref<128xf32, #tpu.memory_space<hbm>>
        tpu.enqueue_dma source(%dma_start3A_34 : memref<128xf32, #tpu.memory_space<hbm>>) target(%dma_start3A_32 : memref<128xf32, #tpu.memory_space<vmem>>) target_semaphore(%run_scoped3A_27 : memref<!tpu.dma_semaphore, #tpu.memory_space<semaphore_mem>>)
        %dma_wait3A = arith.constant 2496 : i32
        %dma_wait3A_35 = tpu.memref_slice %arg7[%dma_wait3A] : memref<2624xf32, #tpu.memory_space<vmem>> -> memref<128xf32, #tpu.memory_space<vmem>>
        %dma_wait3A_36 = arith.constant 79872 : i32
        %dma_wait3A_37 = tpu.memref_slice %arg2[%dma_wait3A_36] : memref<80000xf32, #tpu.memory_space<hbm>> -> memref<128xf32, #tpu.memory_space<hbm>>
        %dma_wait3A_38 = arith.constant 2496 : i32
        %dma_wait3A_39 = tpu.memref_slice %arg7[%dma_wait3A_38] : memref<2624xf32, #tpu.memory_space<vmem>> -> memref<128xf32, #tpu.memory_space<vmem>>
        %dma_wait3A_40 = arith.constant 79872 : i32
        %dma_wait3A_41 = tpu.memref_slice %arg2[%dma_wait3A_40] : memref<80000xf32, #tpu.memory_space<hbm>> -> memref<128xf32, #tpu.memory_space<hbm>>
        tpu.wait_dma2 semaphore(%run_scoped3A_27 : memref<!tpu.dma_semaphore, #tpu.memory_space<semaphore_mem>>) src(%dma_wait3A_41 : memref<128xf32, #tpu.memory_space<hbm>>) dst(%dma_wait3A_39 : memref<128xf32, #tpu.memory_space<vmem>>)
        tpu.yield
      }) : () -> ()
      "tpu.region"() ({
        %run_scoped3A_27 = tpu.sem_alloc : memref<!tpu.dma_semaphore, #tpu.memory_space<semaphore_mem>>
        %dma_start3A = arith.constant 2496 : i32
        %dma_start3A_28 = tpu.memref_slice %arg8[%dma_start3A] : memref<2624xi32, #tpu.memory_space<vmem>> -> memref<128xi32, #tpu.memory_space<vmem>>
        %dma_start3A_29 = arith.constant 159872 : i32
        %dma_start3A_30 = tpu.memref_slice %arg3[%dma_start3A_29] : memref<320000xi32, #tpu.memory_space<hbm>> -> memref<128xi32, #tpu.memory_space<hbm>>
        %dma_start3A_31 = arith.constant 2496 : i32
        %dma_start3A_32 = tpu.memref_slice %arg8[%dma_start3A_31] : memref<2624xi32, #tpu.memory_space<vmem>> -> memref<128xi32, #tpu.memory_space<vmem>>
        %dma_start3A_33 = arith.constant 159872 : i32
        %dma_start3A_34 = tpu.memref_slice %arg3[%dma_start3A_33] : memref<320000xi32, #tpu.memory_space<hbm>> -> memref<128xi32, #tpu.memory_space<hbm>>
        tpu.enqueue_dma source(%dma_start3A_34 : memref<128xi32, #tpu.memory_space<hbm>>) target(%dma_start3A_32 : memref<128xi32, #tpu.memory_space<vmem>>) target_semaphore(%run_scoped3A_27 : memref<!tpu.dma_semaphore, #tpu.memory_space<semaphore_mem>>)
        %dma_wait3A = arith.constant 2496 : i32
        %dma_wait3A_35 = tpu.memref_slice %arg8[%dma_wait3A] : memref<2624xi32, #tpu.memory_space<vmem>> -> memref<128xi32, #tpu.memory_space<vmem>>
        %dma_wait3A_36 = arith.constant 159872 : i32
        %dma_wait3A_37 = tpu.memref_slice %arg3[%dma_wait3A_36] : memref<320000xi32, #tpu.memory_space<hbm>> -> memref<128xi32, #tpu.memory_space<hbm>>
        %dma_wait3A_38 = arith.constant 2496 : i32
        %dma_wait3A_39 = tpu.memref_slice %arg8[%dma_wait3A_38] : memref<2624xi32, #tpu.memory_space<vmem>> -> memref<128xi32, #tpu.memory_space<vmem>>
        %dma_wait3A_40 = arith.constant 159872 : i32
        %dma_wait3A_41 = tpu.memref_slice %arg3[%dma_wait3A_40] : memref<320000xi32, #tpu.memory_space<hbm>> -> memref<128xi32, #tpu.memory_space<hbm>>
        tpu.wait_dma2 semaphore(%run_scoped3A_27 : memref<!tpu.dma_semaphore, #tpu.memory_space<semaphore_mem>>) src(%dma_wait3A_41 : memref<128xi32, #tpu.memory_space<hbm>>) dst(%dma_wait3A_39 : memref<128xi32, #tpu.memory_space<vmem>>)
        tpu.yield
      }) : () -> ()
      "tpu.region"() ({
        %run_scoped3A_27 = tpu.sem_alloc : memref<!tpu.dma_semaphore, #tpu.memory_space<semaphore_mem>>
        %dma_start3A = arith.constant 2496 : i32
        %dma_start3A_28 = tpu.memref_slice %arg9[%dma_start3A] : memref<2624xi32, #tpu.memory_space<vmem>> -> memref<128xi32, #tpu.memory_space<vmem>>
        %dma_start3A_29 = arith.constant 319872 : i32
        %dma_start3A_30 = tpu.memref_slice %arg3[%dma_start3A_29] : memref<320000xi32, #tpu.memory_space<hbm>> -> memref<128xi32, #tpu.memory_space<hbm>>
        %dma_start3A_31 = arith.constant 2496 : i32
        %dma_start3A_32 = tpu.memref_slice %arg9[%dma_start3A_31] : memref<2624xi32, #tpu.memory_space<vmem>> -> memref<128xi32, #tpu.memory_space<vmem>>
        %dma_start3A_33 = arith.constant 319872 : i32
        %dma_start3A_34 = tpu.memref_slice %arg3[%dma_start3A_33] : memref<320000xi32, #tpu.memory_space<hbm>> -> memref<128xi32, #tpu.memory_space<hbm>>
        tpu.enqueue_dma source(%dma_start3A_34 : memref<128xi32, #tpu.memory_space<hbm>>) target(%dma_start3A_32 : memref<128xi32, #tpu.memory_space<vmem>>) target_semaphore(%run_scoped3A_27 : memref<!tpu.dma_semaphore, #tpu.memory_space<semaphore_mem>>)
        %dma_wait3A = arith.constant 2496 : i32
        %dma_wait3A_35 = tpu.memref_slice %arg9[%dma_wait3A] : memref<2624xi32, #tpu.memory_space<vmem>> -> memref<128xi32, #tpu.memory_space<vmem>>
        %dma_wait3A_36 = arith.constant 319872 : i32
        %dma_wait3A_37 = tpu.memref_slice %arg3[%dma_wait3A_36] : memref<320000xi32, #tpu.memory_space<hbm>> -> memref<128xi32, #tpu.memory_space<hbm>>
        %dma_wait3A_38 = arith.constant 2496 : i32
        %dma_wait3A_39 = tpu.memref_slice %arg9[%dma_wait3A_38] : memref<2624xi32, #tpu.memory_space<vmem>> -> memref<128xi32, #tpu.memory_space<vmem>>
        %dma_wait3A_40 = arith.constant 319872 : i32
        %dma_wait3A_41 = tpu.memref_slice %arg3[%dma_wait3A_40] : memref<320000xi32, #tpu.memory_space<hbm>> -> memref<128xi32, #tpu.memory_space<hbm>>
        tpu.wait_dma2 semaphore(%run_scoped3A_27 : memref<!tpu.dma_semaphore, #tpu.memory_space<semaphore_mem>>) src(%dma_wait3A_41 : memref<128xi32, #tpu.memory_space<hbm>>) dst(%dma_wait3A_39 : memref<128xi32, #tpu.memory_space<vmem>>)
        tpu.yield
      }) : () -> ()
    } else {
    }
    %scan3A_14 = arith.constant 0 : i32
    %scan3A_15 = arith.constant 0 : i32
    %scan3A_16 = arith.constant 625 : i32
    %scan3A_17 = arith.addi %scan3A_15, %scan3A_16 : i32
    %scan3A_18 = arith.constant 1 : i32
    scf.for %scan3A_27 = %scan3A_15 to %scan3A_17 step %scan3A_18  : i32 {
      %broadcast_in_dim3A = arith.constant 0.000000e+00 : f32
      %broadcast_in_dim3A_28 = vector.broadcast %broadcast_in_dim3A : f32 to vector<16xf32>
      %mul3A_29 = arith.constant 16 : i32
      %mul3A_30 = arith.muli %scan3A_27, %mul3A_29 : i32
      %swap3A = arith.index_cast %mul3A_30 : i32 to index
      %swap3A_31 = tpu.vector_load %arg11[%swap3A] {strides = array<i32>} : memref<10000xf32, #tpu.memory_space<vmem>>, vector<16xf32>,
      tpu.vector_store %arg11[%swap3A], %broadcast_in_dim3A_28 {strides = array<i32>} : memref<10000xf32, #tpu.memory_space<vmem>>, vector<16xf32>,
      %mul3A_32 = arith.constant 16 : i32
      %mul3A_33 = arith.muli %scan3A_27, %mul3A_32 : i32
      %swap3A_34 = arith.index_cast %mul3A_33 : i32 to index
      %swap3A_35 = tpu.vector_load %arg12[%swap3A_34] {strides = array<i32>} : memref<10000xf32, #tpu.memory_space<vmem>>, vector<16xf32>,
      tpu.vector_store %arg12[%swap3A_34], %broadcast_in_dim3A_28 {strides = array<i32>} : memref<10000xf32, #tpu.memory_space<vmem>>, vector<16xf32>,
    }
    %scan3A_19 = arith.constant 625 : i32
    %get3A = arith.constant 0 : index
    %get3A_20 = tpu.vector_load %arg10[%get3A] {strides = array<i32>} : memref<16xf32, #tpu.memory_space<vmem>>, vector<16xf32>,
    %scan3A_21 = arith.constant 0 : i32
    %scan3A_22 = arith.constant 0 : i32
    %scan3A_23 = arith.constant 164 : i32
    %scan3A_24 = arith.addi %scan3A_22, %scan3A_23 : i32
    %scan3A_25 = arith.constant 1 : i32
    scf.for %scan3A_27 = %scan3A_22 to %scan3A_24 step %scan3A_25  : i32 {
      %mul3A_28 = arith.constant 16 : i32
      %mul3A_29 = arith.muli %scan3A_27, %mul3A_28 : i32
      %get3A_30 = arith.index_cast %mul3A_29 : i32 to index
      %get3A_31 = tpu.vector_load %arg7[%get3A_30] {strides = array<i32>} : memref<2624xf32, #tpu.memory_space<vmem>>, vector<16xf32>,
      %sub3A = arith.subf %get3A_31, %get3A_20 : vector<16xf32>
      %exp3A = math.exp %sub3A : vector<16xf32>
      %get3A_32 = arith.index_cast %mul3A_29 : i32 to index
      %get3A_33 = tpu.vector_load %arg9[%get3A_32] {strides = array<i32>} : memref<2624xi32, #tpu.memory_space<vmem>>, vector<16xi32>,
      %get3A_34 = arith.index_cast %mul3A_29 : i32 to index
      %get3A_35 = tpu.vector_load %arg8[%get3A_34] {strides = array<i32>} : memref<2624xi32, #tpu.memory_space<vmem>>, vector<16xi32>,
      tpu.vector_store_idx %arg11[%get3A_33], %exp3A {add = true} : memref<10000xf32, #tpu.memory_space<vmem>>[vector<16xi32>], vector<16xf32>,
      %eq3A_36 = arith.constant 0 : i32
      %eq3A_37 = vector.broadcast %eq3A_36 : i32 to vector<16xi32>
      %eq3A_38 = arith.cmpi eq, %get3A_33, %eq3A_37 : vector<16xi32>
      %broadcast_in_dim3A = arith.constant 0.000000e+00 : f32
      %broadcast_in_dim3A_39 = vector.broadcast %broadcast_in_dim3A : f32 to vector<16xf32>
      %select_n3A = arith.select %eq3A_38, %exp3A, %broadcast_in_dim3A_39 : vector<16xi1>, vector<16xf32>
      tpu.vector_store_idx %arg12[%get3A_35], %select_n3A {add = true} : memref<10000xf32, #tpu.memory_space<vmem>>[vector<16xi32>], vector<16xf32>,
    }
    %scan3A_26 = arith.constant 164 : i32
    "tpu.region"() ({
      %run_scoped3A_27 = tpu.sem_alloc : memref<!tpu.dma_semaphore, #tpu.memory_space<semaphore_mem>>
      %dma_start3A = arith.constant 0 : i32
      %dma_start3A_28 = tpu.memref_slice %arg5[%add3A, %dma_start3A] : memref<32x10000xf32, #tpu.memory_space<hbm>> -> memref<1x10000xf32, #tpu.memory_space<hbm>>
      %dma_start3A_29 = tpu.memref_squeeze %dma_start3A_28 : memref<1x10000xf32, #tpu.memory_space<hbm>> -> memref<10000xf32, #tpu.memory_space<hbm>>
      %dma_start3A_30 = arith.constant 0 : i32
      %dma_start3A_31 = tpu.memref_slice %arg5[%add3A, %dma_start3A_30] : memref<32x10000xf32, #tpu.memory_space<hbm>> -> memref<1x10000xf32, #tpu.memory_space<hbm>>
      %dma_start3A_32 = tpu.memref_squeeze %dma_start3A_31 : memref<1x10000xf32, #tpu.memory_space<hbm>> -> memref<10000xf32, #tpu.memory_space<hbm>>
      tpu.enqueue_dma source(%arg11 : memref<10000xf32, #tpu.memory_space<vmem>>) target(%dma_start3A_32 : memref<10000xf32, #tpu.memory_space<hbm>>) target_semaphore(%run_scoped3A_27 : memref<!tpu.dma_semaphore, #tpu.memory_space<semaphore_mem>>)
      %dma_wait3A = arith.constant 0 : i32
      %dma_wait3A_33 = tpu.memref_slice %arg5[%add3A, %dma_wait3A] : memref<32x10000xf32, #tpu.memory_space<hbm>> -> memref<1x10000xf32, #tpu.memory_space<hbm>>
      %dma_wait3A_34 = tpu.memref_squeeze %dma_wait3A_33 : memref<1x10000xf32, #tpu.memory_space<hbm>> -> memref<10000xf32, #tpu.memory_space<hbm>>
      %dma_wait3A_35 = arith.constant 0 : i32
      %dma_wait3A_36 = tpu.memref_slice %arg5[%add3A, %dma_wait3A_35] : memref<32x10000xf32, #tpu.memory_space<hbm>> -> memref<1x10000xf32, #tpu.memory_space<hbm>>
      %dma_wait3A_37 = tpu.memref_squeeze %dma_wait3A_36 : memref<1x10000xf32, #tpu.memory_space<hbm>> -> memref<10000xf32, #tpu.memory_space<hbm>>
      tpu.wait_dma2 semaphore(%run_scoped3A_27 : memref<!tpu.dma_semaphore, #tpu.memory_space<semaphore_mem>>) src(%arg11 : memref<10000xf32, #tpu.memory_space<vmem>>) dst(%dma_wait3A_37 : memref<10000xf32, #tpu.memory_space<hbm>>)
      tpu.yield
    }) : () -> ()
    "tpu.region"() ({
      %run_scoped3A_27 = tpu.sem_alloc : memref<!tpu.dma_semaphore, #tpu.memory_space<semaphore_mem>>
      %dma_start3A = arith.constant 0 : i32
      %dma_start3A_28 = tpu.memref_slice %arg6[%add3A, %dma_start3A] : memref<32x10000xf32, #tpu.memory_space<hbm>> -> memref<1x10000xf32, #tpu.memory_space<hbm>>
      %dma_start3A_29 = tpu.memref_squeeze %dma_start3A_28 : memref<1x10000xf32, #tpu.memory_space<hbm>> -> memref<10000xf32, #tpu.memory_space<hbm>>
      %dma_start3A_30 = arith.constant 0 : i32
      %dma_start3A_31 = tpu.memref_slice %arg6[%add3A, %dma_start3A_30] : memref<32x10000xf32, #tpu.memory_space<hbm>> -> memref<1x10000xf32, #tpu.memory_space<hbm>>
      %dma_start3A_32 = tpu.memref_squeeze %dma_start3A_31 : memref<1x10000xf32, #tpu.memory_space<hbm>> -> memref<10000xf32, #tpu.memory_space<hbm>>
      tpu.enqueue_dma source(%arg12 : memref<10000xf32, #tpu.memory_space<vmem>>) target(%dma_start3A_32 : memref<10000xf32, #tpu.memory_space<hbm>>) target_semaphore(%run_scoped3A_27 : memref<!tpu.dma_semaphore, #tpu.memory_space<semaphore_mem>>)
      %dma_wait3A = arith.constant 0 : i32
      %dma_wait3A_33 = tpu.memref_slice %arg6[%add3A, %dma_wait3A] : memref<32x10000xf32, #tpu.memory_space<hbm>> -> memref<1x10000xf32, #tpu.memory_space<hbm>>
      %dma_wait3A_34 = tpu.memref_squeeze %dma_wait3A_33 : memref<1x10000xf32, #tpu.memory_space<hbm>> -> memref<10000xf32, #tpu.memory_space<hbm>>
      %dma_wait3A_35 = arith.constant 0 : i32
      %dma_wait3A_36 = tpu.memref_slice %arg6[%add3A, %dma_wait3A_35] : memref<32x10000xf32, #tpu.memory_space<hbm>> -> memref<1x10000xf32, #tpu.memory_space<hbm>>
      %dma_wait3A_37 = tpu.memref_squeeze %dma_wait3A_36 : memref<1x10000xf32, #tpu.memory_space<hbm>> -> memref<10000xf32, #tpu.memory_space<hbm>>
      tpu.wait_dma2 semaphore(%run_scoped3A_27 : memref<!tpu.dma_semaphore, #tpu.memory_space<semaphore_mem>>) src(%arg12 : memref<10000xf32, #tpu.memory_space<vmem>>) dst(%dma_wait3A_37 : memref<10000xf32, #tpu.memory_space<hbm>>)
      tpu.yield
    }) : () -> ()
    return
  }
}

#map = affine_map<(d0, d1) -> (0)>
#map1 = affine_map<(d0, d1) -> (0, 0)>
module attributes {stable_mosaic.version = 14 : i64} {
  func.func @_body(%arg0: i32, %arg1: i32, %arg2: memref<80000xf32, #tpu.memory_space<hbm>>, %arg3: memref<320000xi32, #tpu.memory_space<hbm>>, %arg4: memref<1x16xf32, #tpu.memory_space<hbm>>, %arg5: memref<32x10000xf32, #tpu.memory_space<hbm>>, %arg6: memref<32x10000xf32, #tpu.memory_space<hbm>>, %arg7: memref<2624xf32, #tpu.memory_space<vmem>>, %arg8: memref<2624xi32, #tpu.memory_space<vmem>>, %arg9: memref<2624xi32, #tpu.memory_space<vmem>>, %arg10: memref<16xf32, #tpu.memory_space<vmem>>, %arg11: memref<10000xf32, #tpu.memory_space<vmem>>, %arg12: memref<10000xf32, #tpu.memory_space<vmem>>) attributes {dimension_semantics = [#tpu.dimension_semantics<core_parallel>, #tpu.dimension_semantics<subcore_parallel>], iteration_bounds = array<i64: 2, 16>, scalar_prefetch = 0 : i64, scratch_operands = 6 : i64, tpu.core_type = #tpu.core_type<sc_vector_subcore>, window_params = [{transform_indices = #map}, {transform_indices = #map}, {transform_indices = #map1}, {transform_indices = #map1}, {transform_indices = #map1}]} {
    %mul3A = arith.constant 2 : i32
    %mul3A_0 = arith.muli %arg1, %mul3A : i32
    %add3A = arith.addi %mul3A_0, %arg0 : i32
    %mul3A_1 = arith.constant 2496 : i32
    %mul3A_2 = arith.muli %add3A, %mul3A_1 : i32
    %scan3A = arith.constant 0 : i32
    %scan3A_3 = arith.constant 156 : i32
    %scan3A_4 = arith.constant 8 : i32
    %scan3A_5 = arith.addi %scan3A_3, %scan3A_4 : i32
    %scan3A_6 = arith.constant 1 : i32
    scf.for %scan3A_27 = %scan3A_3 to %scan3A_5 step %scan3A_6  : i32 {
      %broadcast_in_dim3A = arith.constant -1.000000e+30 : f32
      %broadcast_in_dim3A_28 = vector.broadcast %broadcast_in_dim3A : f32 to vector<16xf32>
      %mul3A_29 = arith.constant 16 : i32
      %mul3A_30 = arith.muli %scan3A_27, %mul3A_29 : i32
      %swap3A = arith.index_cast %mul3A_30 : i32 to index
      %swap3A_31 = tpu.vector_load %arg7[%swap3A] {strides = array<i32>} : memref<2624xf32, #tpu.memory_space<vmem>>, vector<16xf32>,
      tpu.vector_store %arg7[%swap3A], %broadcast_in_dim3A_28 {strides = array<i32>} : memref<2624xf32, #tpu.memory_space<vmem>>, vector<16xf32>,
      %broadcast_in_dim3A_32 = arith.constant 0 : i32
      %broadcast_in_dim3A_33 = vector.broadcast %broadcast_in_dim3A_32 : i32 to vector<16xi32>
      %mul3A_34 = arith.constant 16 : i32
      %mul3A_35 = arith.muli %scan3A_27, %mul3A_34 : i32
      %swap3A_36 = arith.index_cast %mul3A_35 : i32 to index
      %swap3A_37 = tpu.vector_load %arg8[%swap3A_36] {strides = array<i32>} : memref<2624xi32, #tpu.memory_space<vmem>>, vector<16xi32>,
      tpu.vector_store %arg8[%swap3A_36], %broadcast_in_dim3A_33 {strides = array<i32>} : memref<2624xi32, #tpu.memory_space<vmem>>, vector<16xi32>,
      %broadcast_in_dim3A_38 = arith.constant 0 : i32
      %broadcast_in_dim3A_39 = vector.broadcast %broadcast_in_dim3A_38 : i32 to vector<16xi32>
      %mul3A_40 = arith.constant 16 : i32
      %mul3A_41 = arith.muli %scan3A_27, %mul3A_40 : i32
      %swap3A_42 = arith.index_cast %mul3A_41 : i32 to index
      %swap3A_43 = tpu.vector_load %arg9[%swap3A_42] {strides = array<i32>} : memref<2624xi32, #tpu.memory_space<vmem>>, vector<16xi32>,
      tpu.vector_store %arg9[%swap3A_42], %broadcast_in_dim3A_39 {strides = array<i32>} : memref<2624xi32, #tpu.memory_space<vmem>>, vector<16xi32>,
    }
    %scan3A_7 = arith.constant 8 : i32
    "tpu.region"() ({
      %run_scoped3A_27 = tpu.sem_alloc : memref<!tpu.dma_semaphore, #tpu.memory_space<semaphore_mem>>
      %dma_start3A = arith.constant 0 : i32
      %dma_start3A_28 = tpu.memref_slice %arg7[%dma_start3A] : memref<2624xf32, #tpu.memory_space<vmem>> -> memref<2496xf32, #tpu.memory_space<vmem>>
      %dma_start3A_29 = tpu.memref_slice %arg2[%mul3A_2] : memref<80000xf32, #tpu.memory_space<hbm>> -> memref<2496xf32, #tpu.memory_space<hbm>>
      %dma_start3A_30 = arith.constant 0 : i32
      %dma_start3A_31 = tpu.memref_slice %arg7[%dma_start3A_30] : memref<2624xf32, #tpu.memory_space<vmem>> -> memref<2496xf32, #tpu.memory_space<vmem>>
      %dma_start3A_32 = tpu.memref_slice %arg2[%mul3A_2] : memref<80000xf32, #tpu.memory_space<hbm>> -> memref<2496xf32, #tpu.memory_space<hbm>>
      tpu.enqueue_dma source(%dma_start3A_32 : memref<2496xf32, #tpu.memory_space<hbm>>) target(%dma_start3A_31 : memref<2496xf32, #tpu.memory_space<vmem>>) target_semaphore(%run_scoped3A_27 : memref<!tpu.dma_semaphore, #tpu.memory_space<semaphore_mem>>)
      %dma_wait3A = arith.constant 0 : i32
      %dma_wait3A_33 = tpu.memref_slice %arg7[%dma_wait3A] : memref<2624xf32, #tpu.memory_space<vmem>> -> memref<2496xf32, #tpu.memory_space<vmem>>
      %dma_wait3A_34 = tpu.memref_slice %arg2[%mul3A_2] : memref<80000xf32, #tpu.memory_space<hbm>> -> memref<2496xf32, #tpu.memory_space<hbm>>
      %dma_wait3A_35 = arith.constant 0 : i32
      %dma_wait3A_36 = tpu.memref_slice %arg7[%dma_wait3A_35] : memref<2624xf32, #tpu.memory_space<vmem>> -> memref<2496xf32, #tpu.memory_space<vmem>>
      %dma_wait3A_37 = tpu.memref_slice %arg2[%mul3A_2] : memref<80000xf32, #tpu.memory_space<hbm>> -> memref<2496xf32, #tpu.memory_space<hbm>>
      tpu.wait_dma2 semaphore(%run_scoped3A_27 : memref<!tpu.dma_semaphore, #tpu.memory_space<semaphore_mem>>) src(%dma_wait3A_37 : memref<2496xf32, #tpu.memory_space<hbm>>) dst(%dma_wait3A_36 : memref<2496xf32, #tpu.memory_space<vmem>>)
      tpu.yield
    }) : () -> ()
    %add3A_8 = arith.constant 0 : i32
    %add3A_9 = arith.addi %add3A_8, %mul3A_2 : i32
    "tpu.region"() ({
      %run_scoped3A_27 = tpu.sem_alloc : memref<!tpu.dma_semaphore, #tpu.memory_space<semaphore_mem>>
      %dma_start3A = arith.constant 0 : i32
      %dma_start3A_28 = tpu.memref_slice %arg8[%dma_start3A] : memref<2624xi32, #tpu.memory_space<vmem>> -> memref<2496xi32, #tpu.memory_space<vmem>>
      %dma_start3A_29 = tpu.memref_slice %arg3[%add3A_9] : memref<320000xi32, #tpu.memory_space<hbm>> -> memref<2496xi32, #tpu.memory_space<hbm>>
      %dma_start3A_30 = arith.constant 0 : i32
      %dma_start3A_31 = tpu.memref_slice %arg8[%dma_start3A_30] : memref<2624xi32, #tpu.memory_space<vmem>> -> memref<2496xi32, #tpu.memory_space<vmem>>
      %dma_start3A_32 = tpu.memref_slice %arg3[%add3A_9] : memref<320000xi32, #tpu.memory_space<hbm>> -> memref<2496xi32, #tpu.memory_space<hbm>>
      tpu.enqueue_dma source(%dma_start3A_32 : memref<2496xi32, #tpu.memory_space<hbm>>) target(%dma_start3A_31 : memref<2496xi32, #tpu.memory_space<vmem>>) target_semaphore(%run_scoped3A_27 : memref<!tpu.dma_semaphore, #tpu.memory_space<semaphore_mem>>)
      %dma_wait3A = arith.constant 0 : i32
      %dma_wait3A_33 = tpu.memref_slice %arg8[%dma_wait3A] : memref<2624xi32, #tpu.memory_space<vmem>> -> memref<2496xi32, #tpu.memory_space<vmem>>
      %dma_wait3A_34 = tpu.memref_slice %arg3[%add3A_9] : memref<320000xi32, #tpu.memory_space<hbm>> -> memref<2496xi32, #tpu.memory_space<hbm>>
      %dma_wait3A_35 = arith.constant 0 : i32
      %dma_wait3A_36 = tpu.memref_slice %arg8[%dma_wait3A_35] : memref<2624xi32, #tpu.memory_space<vmem>> -> memref<2496xi32, #tpu.memory_space<vmem>>
      %dma_wait3A_37 = tpu.memref_slice %arg3[%add3A_9] : memref<320000xi32, #tpu.memory_space<hbm>> -> memref<2496xi32, #tpu.memory_space<hbm>>
      tpu.wait_dma2 semaphore(%run_scoped3A_27 : memref<!tpu.dma_semaphore, #tpu.memory_space<semaphore_mem>>) src(%dma_wait3A_37 : memref<2496xi32, #tpu.memory_space<hbm>>) dst(%dma_wait3A_36 : memref<2496xi32, #tpu.memory_space<vmem>>)
      tpu.yield
    }) : () -> ()
    %add3A_10 = arith.constant 160000 : i32
    %add3A_11 = arith.addi %add3A_10, %mul3A_2 : i32
    "tpu.region"() ({
      %run_scoped3A_27 = tpu.sem_alloc : memref<!tpu.dma_semaphore, #tpu.memory_space<semaphore_mem>>
      %dma_start3A = arith.constant 0 : i32
      %dma_start3A_28 = tpu.memref_slice %arg9[%dma_start3A] : memref<2624xi32, #tpu.memory_space<vmem>> -> memref<2496xi32, #tpu.memory_space<vmem>>
      %dma_start3A_29 = tpu.memref_slice %arg3[%add3A_11] : memref<320000xi32, #tpu.memory_space<hbm>> -> memref<2496xi32, #tpu.memory_space<hbm>>
      %dma_start3A_30 = arith.constant 0 : i32
      %dma_start3A_31 = tpu.memref_slice %arg9[%dma_start3A_30] : memref<2624xi32, #tpu.memory_space<vmem>> -> memref<2496xi32, #tpu.memory_space<vmem>>
      %dma_start3A_32 = tpu.memref_slice %arg3[%add3A_11] : memref<320000xi32, #tpu.memory_space<hbm>> -> memref<2496xi32, #tpu.memory_space<hbm>>
      tpu.enqueue_dma source(%dma_start3A_32 : memref<2496xi32, #tpu.memory_space<hbm>>) target(%dma_start3A_31 : memref<2496xi32, #tpu.memory_space<vmem>>) target_semaphore(%run_scoped3A_27 : memref<!tpu.dma_semaphore, #tpu.memory_space<semaphore_mem>>)
      %dma_wait3A = arith.constant 0 : i32
      %dma_wait3A_33 = tpu.memref_slice %arg9[%dma_wait3A] : memref<2624xi32, #tpu.memory_space<vmem>> -> memref<2496xi32, #tpu.memory_space<vmem>>
      %dma_wait3A_34 = tpu.memref_slice %arg3[%add3A_11] : memref<320000xi32, #tpu.memory_space<hbm>> -> memref<2496xi32, #tpu.memory_space<hbm>>
      %dma_wait3A_35 = arith.constant 0 : i32
      %dma_wait3A_36 = tpu.memref_slice %arg9[%dma_wait3A_35] : memref<2624xi32, #tpu.memory_space<vmem>> -> memref<2496xi32, #tpu.memory_space<vmem>>
      %dma_wait3A_37 = tpu.memref_slice %arg3[%add3A_11] : memref<320000xi32, #tpu.memory_space<hbm>> -> memref<2496xi32, #tpu.memory_space<hbm>>
      tpu.wait_dma2 semaphore(%run_scoped3A_27 : memref<!tpu.dma_semaphore, #tpu.memory_space<semaphore_mem>>) src(%dma_wait3A_37 : memref<2496xi32, #tpu.memory_space<hbm>>) dst(%dma_wait3A_36 : memref<2496xi32, #tpu.memory_space<vmem>>)
      tpu.yield
    }) : () -> ()
    %run_scoped3A = arith.constant 0 : i32
    "tpu.region"() ({
      %run_scoped3A_27 = tpu.sem_alloc : memref<!tpu.dma_semaphore, #tpu.memory_space<semaphore_mem>>
      %dma_start3A = arith.constant 0 : i32
      %dma_start3A_28 = tpu.memref_slice %arg4[%run_scoped3A, %dma_start3A] : memref<1x16xf32, #tpu.memory_space<hbm>> -> memref<1x16xf32, #tpu.memory_space<hbm>>
      %dma_start3A_29 = tpu.memref_squeeze %dma_start3A_28 : memref<1x16xf32, #tpu.memory_space<hbm>> -> memref<16xf32, #tpu.memory_space<hbm>>
      %dma_start3A_30 = arith.constant 0 : i32
      %dma_start3A_31 = tpu.memref_slice %arg4[%run_scoped3A, %dma_start3A_30] : memref<1x16xf32, #tpu.memory_space<hbm>> -> memref<1x16xf32, #tpu.memory_space<hbm>>
      %dma_start3A_32 = tpu.memref_squeeze %dma_start3A_31 : memref<1x16xf32, #tpu.memory_space<hbm>> -> memref<16xf32, #tpu.memory_space<hbm>>
      tpu.enqueue_dma source(%dma_start3A_32 : memref<16xf32, #tpu.memory_space<hbm>>) target(%arg10 : memref<16xf32, #tpu.memory_space<vmem>>) target_semaphore(%run_scoped3A_27 : memref<!tpu.dma_semaphore, #tpu.memory_space<semaphore_mem>>)
      %dma_wait3A = arith.constant 0 : i32
      %dma_wait3A_33 = tpu.memref_slice %arg4[%run_scoped3A, %dma_wait3A] : memref<1x16xf32, #tpu.memory_space<hbm>> -> memref<1x16xf32, #tpu.memory_space<hbm>>
      %dma_wait3A_34 = tpu.memref_squeeze %dma_wait3A_33 : memref<1x16xf32, #tpu.memory_space<hbm>> -> memref<16xf32, #tpu.memory_space<hbm>>
      %dma_wait3A_35 = arith.constant 0 : i32
      %dma_wait3A_36 = tpu.memref_slice %arg4[%run_scoped3A, %dma_wait3A_35] : memref<1x16xf32, #tpu.memory_space<hbm>> -> memref<1x16xf32, #tpu.memory_space<hbm>>
      %dma_wait3A_37 = tpu.memref_squeeze %dma_wait3A_36 : memref<1x16xf32, #tpu.memory_space<hbm>> -> memref<16xf32, #tpu.memory_space<hbm>>
      tpu.wait_dma2 semaphore(%run_scoped3A_27 : memref<!tpu.dma_semaphore, #tpu.memory_space<semaphore_mem>>) src(%dma_wait3A_37 : memref<16xf32, #tpu.memory_space<hbm>>) dst(%arg10 : memref<16xf32, #tpu.memory_space<vmem>>)
      tpu.yield
    }) : () -> ()
    %eq3A = arith.constant 0 : i32
    %eq3A_12 = arith.cmpi eq, %add3A, %eq3A : i32
    %convert_element_type3A = arith.extui %eq3A_12 : i1 to i32
    %cond3A = arith.constant 0 : i32
    %cond3A_13 = arith.cmpi ne, %convert_element_type3A, %cond3A : i32
    scf.if %cond3A_13 {
      "tpu.region"() ({
        %run_scoped3A_27 = tpu.sem_alloc : memref<!tpu.dma_semaphore, #tpu.memory_space<semaphore_mem>>
        %dma_start3A = arith.constant 2496 : i32
        %dma_start3A_28 = tpu.memref_slice %arg7[%dma_start3A] : memref<2624xf32, #tpu.memory_space<vmem>> -> memref<128xf32, #tpu.memory_space<vmem>>
        %dma_start3A_29 = arith.constant 79872 : i32
        %dma_start3A_30 = tpu.memref_slice %arg2[%dma_start3A_29] : memref<80000xf32, #tpu.memory_space<hbm>> -> memref<128xf32, #tpu.memory_space<hbm>>
        %dma_start3A_31 = arith.constant 2496 : i32
        %dma_start3A_32 = tpu.memref_slice %arg7[%dma_start3A_31] : memref<2624xf32, #tpu.memory_space<vmem>> -> memref<128xf32, #tpu.memory_space<vmem>>
        %dma_start3A_33 = arith.constant 79872 : i32
        %dma_start3A_34 = tpu.memref_slice %arg2[%dma_start3A_33] : memref<80000xf32, #tpu.memory_space<hbm>> -> memref<128xf32, #tpu.memory_space<hbm>>
        tpu.enqueue_dma source(%dma_start3A_34 : memref<128xf32, #tpu.memory_space<hbm>>) target(%dma_start3A_32 : memref<128xf32, #tpu.memory_space<vmem>>) target_semaphore(%run_scoped3A_27 : memref<!tpu.dma_semaphore, #tpu.memory_space<semaphore_mem>>)
        %dma_wait3A = arith.constant 2496 : i32
        %dma_wait3A_35 = tpu.memref_slice %arg7[%dma_wait3A] : memref<2624xf32, #tpu.memory_space<vmem>> -> memref<128xf32, #tpu.memory_space<vmem>>
        %dma_wait3A_36 = arith.constant 79872 : i32
        %dma_wait3A_37 = tpu.memref_slice %arg2[%dma_wait3A_36] : memref<80000xf32, #tpu.memory_space<hbm>> -> memref<128xf32, #tpu.memory_space<hbm>>
        %dma_wait3A_38 = arith.constant 2496 : i32
        %dma_wait3A_39 = tpu.memref_slice %arg7[%dma_wait3A_38] : memref<2624xf32, #tpu.memory_space<vmem>> -> memref<128xf32, #tpu.memory_space<vmem>>
        %dma_wait3A_40 = arith.constant 79872 : i32
        %dma_wait3A_41 = tpu.memref_slice %arg2[%dma_wait3A_40] : memref<80000xf32, #tpu.memory_space<hbm>> -> memref<128xf32, #tpu.memory_space<hbm>>
        tpu.wait_dma2 semaphore(%run_scoped3A_27 : memref<!tpu.dma_semaphore, #tpu.memory_space<semaphore_mem>>) src(%dma_wait3A_41 : memref<128xf32, #tpu.memory_space<hbm>>) dst(%dma_wait3A_39 : memref<128xf32, #tpu.memory_space<vmem>>)
        tpu.yield
      }) : () -> ()
      "tpu.region"() ({
        %run_scoped3A_27 = tpu.sem_alloc : memref<!tpu.dma_semaphore, #tpu.memory_space<semaphore_mem>>
        %dma_start3A = arith.constant 2496 : i32
        %dma_start3A_28 = tpu.memref_slice %arg8[%dma_start3A] : memref<2624xi32, #tpu.memory_space<vmem>> -> memref<128xi32, #tpu.memory_space<vmem>>
        %dma_start3A_29 = arith.constant 79872 : i32
        %dma_start3A_30 = tpu.memref_slice %arg3[%dma_start3A_29] : memref<320000xi32, #tpu.memory_space<hbm>> -> memref<128xi32, #tpu.memory_space<hbm>>
        %dma_start3A_31 = arith.constant 2496 : i32
        %dma_start3A_32 = tpu.memref_slice %arg8[%dma_start3A_31] : memref<2624xi32, #tpu.memory_space<vmem>> -> memref<128xi32, #tpu.memory_space<vmem>>
        %dma_start3A_33 = arith.constant 79872 : i32
        %dma_start3A_34 = tpu.memref_slice %arg3[%dma_start3A_33] : memref<320000xi32, #tpu.memory_space<hbm>> -> memref<128xi32, #tpu.memory_space<hbm>>
        tpu.enqueue_dma source(%dma_start3A_34 : memref<128xi32, #tpu.memory_space<hbm>>) target(%dma_start3A_32 : memref<128xi32, #tpu.memory_space<vmem>>) target_semaphore(%run_scoped3A_27 : memref<!tpu.dma_semaphore, #tpu.memory_space<semaphore_mem>>)
        %dma_wait3A = arith.constant 2496 : i32
        %dma_wait3A_35 = tpu.memref_slice %arg8[%dma_wait3A] : memref<2624xi32, #tpu.memory_space<vmem>> -> memref<128xi32, #tpu.memory_space<vmem>>
        %dma_wait3A_36 = arith.constant 79872 : i32
        %dma_wait3A_37 = tpu.memref_slice %arg3[%dma_wait3A_36] : memref<320000xi32, #tpu.memory_space<hbm>> -> memref<128xi32, #tpu.memory_space<hbm>>
        %dma_wait3A_38 = arith.constant 2496 : i32
        %dma_wait3A_39 = tpu.memref_slice %arg8[%dma_wait3A_38] : memref<2624xi32, #tpu.memory_space<vmem>> -> memref<128xi32, #tpu.memory_space<vmem>>
        %dma_wait3A_40 = arith.constant 79872 : i32
        %dma_wait3A_41 = tpu.memref_slice %arg3[%dma_wait3A_40] : memref<320000xi32, #tpu.memory_space<hbm>> -> memref<128xi32, #tpu.memory_space<hbm>>
        tpu.wait_dma2 semaphore(%run_scoped3A_27 : memref<!tpu.dma_semaphore, #tpu.memory_space<semaphore_mem>>) src(%dma_wait3A_41 : memref<128xi32, #tpu.memory_space<hbm>>) dst(%dma_wait3A_39 : memref<128xi32, #tpu.memory_space<vmem>>)
        tpu.yield
      }) : () -> ()
      "tpu.region"() ({
        %run_scoped3A_27 = tpu.sem_alloc : memref<!tpu.dma_semaphore, #tpu.memory_space<semaphore_mem>>
        %dma_start3A = arith.constant 2496 : i32
        %dma_start3A_28 = tpu.memref_slice %arg9[%dma_start3A] : memref<2624xi32, #tpu.memory_space<vmem>> -> memref<128xi32, #tpu.memory_space<vmem>>
        %dma_start3A_29 = arith.constant 239872 : i32
        %dma_start3A_30 = tpu.memref_slice %arg3[%dma_start3A_29] : memref<320000xi32, #tpu.memory_space<hbm>> -> memref<128xi32, #tpu.memory_space<hbm>>
        %dma_start3A_31 = arith.constant 2496 : i32
        %dma_start3A_32 = tpu.memref_slice %arg9[%dma_start3A_31] : memref<2624xi32, #tpu.memory_space<vmem>> -> memref<128xi32, #tpu.memory_space<vmem>>
        %dma_start3A_33 = arith.constant 239872 : i32
        %dma_start3A_34 = tpu.memref_slice %arg3[%dma_start3A_33] : memref<320000xi32, #tpu.memory_space<hbm>> -> memref<128xi32, #tpu.memory_space<hbm>>
        tpu.enqueue_dma source(%dma_start3A_34 : memref<128xi32, #tpu.memory_space<hbm>>) target(%dma_start3A_32 : memref<128xi32, #tpu.memory_space<vmem>>) target_semaphore(%run_scoped3A_27 : memref<!tpu.dma_semaphore, #tpu.memory_space<semaphore_mem>>)
        %dma_wait3A = arith.constant 2496 : i32
        %dma_wait3A_35 = tpu.memref_slice %arg9[%dma_wait3A] : memref<2624xi32, #tpu.memory_space<vmem>> -> memref<128xi32, #tpu.memory_space<vmem>>
        %dma_wait3A_36 = arith.constant 239872 : i32
        %dma_wait3A_37 = tpu.memref_slice %arg3[%dma_wait3A_36] : memref<320000xi32, #tpu.memory_space<hbm>> -> memref<128xi32, #tpu.memory_space<hbm>>
        %dma_wait3A_38 = arith.constant 2496 : i32
        %dma_wait3A_39 = tpu.memref_slice %arg9[%dma_wait3A_38] : memref<2624xi32, #tpu.memory_space<vmem>> -> memref<128xi32, #tpu.memory_space<vmem>>
        %dma_wait3A_40 = arith.constant 239872 : i32
        %dma_wait3A_41 = tpu.memref_slice %arg3[%dma_wait3A_40] : memref<320000xi32, #tpu.memory_space<hbm>> -> memref<128xi32, #tpu.memory_space<hbm>>
        tpu.wait_dma2 semaphore(%run_scoped3A_27 : memref<!tpu.dma_semaphore, #tpu.memory_space<semaphore_mem>>) src(%dma_wait3A_41 : memref<128xi32, #tpu.memory_space<hbm>>) dst(%dma_wait3A_39 : memref<128xi32, #tpu.memory_space<vmem>>)
        tpu.yield
      }) : () -> ()
    } else {
    }
    %scan3A_14 = arith.constant 0 : i32
    %scan3A_15 = arith.constant 0 : i32
    %scan3A_16 = arith.constant 625 : i32
    %scan3A_17 = arith.addi %scan3A_15, %scan3A_16 : i32
    %scan3A_18 = arith.constant 1 : i32
    scf.for %scan3A_27 = %scan3A_15 to %scan3A_17 step %scan3A_18  : i32 {
      %broadcast_in_dim3A = arith.constant 0.000000e+00 : f32
      %broadcast_in_dim3A_28 = vector.broadcast %broadcast_in_dim3A : f32 to vector<16xf32>
      %mul3A_29 = arith.constant 16 : i32
      %mul3A_30 = arith.muli %scan3A_27, %mul3A_29 : i32
      %swap3A = arith.index_cast %mul3A_30 : i32 to index
      %swap3A_31 = tpu.vector_load %arg11[%swap3A] {strides = array<i32>} : memref<10000xf32, #tpu.memory_space<vmem>>, vector<16xf32>,
      tpu.vector_store %arg11[%swap3A], %broadcast_in_dim3A_28 {strides = array<i32>} : memref<10000xf32, #tpu.memory_space<vmem>>, vector<16xf32>,
      %mul3A_32 = arith.constant 16 : i32
      %mul3A_33 = arith.muli %scan3A_27, %mul3A_32 : i32
      %swap3A_34 = arith.index_cast %mul3A_33 : i32 to index
      %swap3A_35 = tpu.vector_load %arg12[%swap3A_34] {strides = array<i32>} : memref<10000xf32, #tpu.memory_space<vmem>>, vector<16xf32>,
      tpu.vector_store %arg12[%swap3A_34], %broadcast_in_dim3A_28 {strides = array<i32>} : memref<10000xf32, #tpu.memory_space<vmem>>, vector<16xf32>,
    }
    %scan3A_19 = arith.constant 625 : i32
    %get3A = arith.constant 0 : index
    %get3A_20 = tpu.vector_load %arg10[%get3A] {strides = array<i32>} : memref<16xf32, #tpu.memory_space<vmem>>, vector<16xf32>,
    %scan3A_21 = arith.constant 0 : i32
    %scan3A_22 = arith.constant 0 : i32
    %scan3A_23 = arith.constant 164 : i32
    %scan3A_24 = arith.addi %scan3A_22, %scan3A_23 : i32
    %scan3A_25 = arith.constant 1 : i32
    scf.for %scan3A_27 = %scan3A_22 to %scan3A_24 step %scan3A_25  : i32 {
      %mul3A_28 = arith.constant 16 : i32
      %mul3A_29 = arith.muli %scan3A_27, %mul3A_28 : i32
      %get3A_30 = arith.index_cast %mul3A_29 : i32 to index
      %get3A_31 = tpu.vector_load %arg7[%get3A_30] {strides = array<i32>} : memref<2624xf32, #tpu.memory_space<vmem>>, vector<16xf32>,
      %sub3A = arith.subf %get3A_31, %get3A_20 : vector<16xf32>
      %exp3A = math.exp %sub3A : vector<16xf32>
      %get3A_32 = arith.index_cast %mul3A_29 : i32 to index
      %get3A_33 = tpu.vector_load %arg9[%get3A_32] {strides = array<i32>} : memref<2624xi32, #tpu.memory_space<vmem>>, vector<16xi32>,
      %get3A_34 = arith.index_cast %mul3A_29 : i32 to index
      %get3A_35 = tpu.vector_load %arg8[%get3A_34] {strides = array<i32>} : memref<2624xi32, #tpu.memory_space<vmem>>, vector<16xi32>,
      tpu.vector_store_idx %arg11[%get3A_33], %exp3A {add = true} : memref<10000xf32, #tpu.memory_space<vmem>>[vector<16xi32>], vector<16xf32>,
      %eq3A_36 = arith.constant 0 : i32
      %eq3A_37 = vector.broadcast %eq3A_36 : i32 to vector<16xi32>
      %eq3A_38 = arith.cmpi eq, %get3A_33, %eq3A_37 : vector<16xi32>
      %broadcast_in_dim3A = arith.constant 0.000000e+00 : f32
      %broadcast_in_dim3A_39 = vector.broadcast %broadcast_in_dim3A : f32 to vector<16xf32>
      %select_n3A = arith.select %eq3A_38, %exp3A, %broadcast_in_dim3A_39 : vector<16xi1>, vector<16xf32>
      tpu.vector_store_idx %arg12[%get3A_35], %select_n3A {add = true} : memref<10000xf32, #tpu.memory_space<vmem>>[vector<16xi32>], vector<16xf32>,
    }
    %scan3A_26 = arith.constant 164 : i32
    "tpu.region"() ({
      %run_scoped3A_27 = tpu.sem_alloc : memref<!tpu.dma_semaphore, #tpu.memory_space<semaphore_mem>>
      %dma_start3A = arith.constant 0 : i32
      %dma_start3A_28 = tpu.memref_slice %arg5[%add3A, %dma_start3A] : memref<32x10000xf32, #tpu.memory_space<hbm>> -> memref<1x10000xf32, #tpu.memory_space<hbm>>
      %dma_start3A_29 = tpu.memref_squeeze %dma_start3A_28 : memref<1x10000xf32, #tpu.memory_space<hbm>> -> memref<10000xf32, #tpu.memory_space<hbm>>
      %dma_start3A_30 = arith.constant 0 : i32
      %dma_start3A_31 = tpu.memref_slice %arg5[%add3A, %dma_start3A_30] : memref<32x10000xf32, #tpu.memory_space<hbm>> -> memref<1x10000xf32, #tpu.memory_space<hbm>>
      %dma_start3A_32 = tpu.memref_squeeze %dma_start3A_31 : memref<1x10000xf32, #tpu.memory_space<hbm>> -> memref<10000xf32, #tpu.memory_space<hbm>>
      tpu.enqueue_dma source(%arg11 : memref<10000xf32, #tpu.memory_space<vmem>>) target(%dma_start3A_32 : memref<10000xf32, #tpu.memory_space<hbm>>) target_semaphore(%run_scoped3A_27 : memref<!tpu.dma_semaphore, #tpu.memory_space<semaphore_mem>>)
      %dma_wait3A = arith.constant 0 : i32
      %dma_wait3A_33 = tpu.memref_slice %arg5[%add3A, %dma_wait3A] : memref<32x10000xf32, #tpu.memory_space<hbm>> -> memref<1x10000xf32, #tpu.memory_space<hbm>>
      %dma_wait3A_34 = tpu.memref_squeeze %dma_wait3A_33 : memref<1x10000xf32, #tpu.memory_space<hbm>> -> memref<10000xf32, #tpu.memory_space<hbm>>
      %dma_wait3A_35 = arith.constant 0 : i32
      %dma_wait3A_36 = tpu.memref_slice %arg5[%add3A, %dma_wait3A_35] : memref<32x10000xf32, #tpu.memory_space<hbm>> -> memref<1x10000xf32, #tpu.memory_space<hbm>>
      %dma_wait3A_37 = tpu.memref_squeeze %dma_wait3A_36 : memref<1x10000xf32, #tpu.memory_space<hbm>> -> memref<10000xf32, #tpu.memory_space<hbm>>
      tpu.wait_dma2 semaphore(%run_scoped3A_27 : memref<!tpu.dma_semaphore, #tpu.memory_space<semaphore_mem>>) src(%arg11 : memref<10000xf32, #tpu.memory_space<vmem>>) dst(%dma_wait3A_37 : memref<10000xf32, #tpu.memory_space<hbm>>)
      tpu.yield
    }) : () -> ()
    "tpu.region"() ({
      %run_scoped3A_27 = tpu.sem_alloc : memref<!tpu.dma_semaphore, #tpu.memory_space<semaphore_mem>>
      %dma_start3A = arith.constant 0 : i32
      %dma_start3A_28 = tpu.memref_slice %arg6[%add3A, %dma_start3A] : memref<32x10000xf32, #tpu.memory_space<hbm>> -> memref<1x10000xf32, #tpu.memory_space<hbm>>
      %dma_start3A_29 = tpu.memref_squeeze %dma_start3A_28 : memref<1x10000xf32, #tpu.memory_space<hbm>> -> memref<10000xf32, #tpu.memory_space<hbm>>
      %dma_start3A_30 = arith.constant 0 : i32
      %dma_start3A_31 = tpu.memref_slice %arg6[%add3A, %dma_start3A_30] : memref<32x10000xf32, #tpu.memory_space<hbm>> -> memref<1x10000xf32, #tpu.memory_space<hbm>>
      %dma_start3A_32 = tpu.memref_squeeze %dma_start3A_31 : memref<1x10000xf32, #tpu.memory_space<hbm>> -> memref<10000xf32, #tpu.memory_space<hbm>>
      tpu.enqueue_dma source(%arg12 : memref<10000xf32, #tpu.memory_space<vmem>>) target(%dma_start3A_32 : memref<10000xf32, #tpu.memory_space<hbm>>) target_semaphore(%run_scoped3A_27 : memref<!tpu.dma_semaphore, #tpu.memory_space<semaphore_mem>>)
      %dma_wait3A = arith.constant 0 : i32
      %dma_wait3A_33 = tpu.memref_slice %arg6[%add3A, %dma_wait3A] : memref<32x10000xf32, #tpu.memory_space<hbm>> -> memref<1x10000xf32, #tpu.memory_space<hbm>>
      %dma_wait3A_34 = tpu.memref_squeeze %dma_wait3A_33 : memref<1x10000xf32, #tpu.memory_space<hbm>> -> memref<10000xf32, #tpu.memory_space<hbm>>
      %dma_wait3A_35 = arith.constant 0 : i32
      %dma_wait3A_36 = tpu.memref_slice %arg6[%add3A, %dma_wait3A_35] : memref<32x10000xf32, #tpu.memory_space<hbm>> -> memref<1x10000xf32, #tpu.memory_space<hbm>>
      %dma_wait3A_37 = tpu.memref_squeeze %dma_wait3A_36 : memref<1x10000xf32, #tpu.memory_space<hbm>> -> memref<10000xf32, #tpu.memory_space<hbm>>
      tpu.wait_dma2 semaphore(%run_scoped3A_27 : memref<!tpu.dma_semaphore, #tpu.memory_space<semaphore_mem>>) src(%arg12 : memref<10000xf32, #tpu.memory_space<vmem>>) dst(%dma_wait3A_37 : memref<10000xf32, #tpu.memory_space<hbm>>)
      tpu.yield
    }) : () -> ()
    return
  }
}

module attributes {stable_mosaic.version = 14 : i64} {
  func.func @_final_body(%arg0: memref<32x10000xf32, #tpu.memory_space<vmem>>, %arg1: memref<32x10000xf32, #tpu.memory_space<vmem>>, %arg2: memref<32x10000xf32, #tpu.memory_space<vmem>>, %arg3: memref<32x10000xf32, #tpu.memory_space<vmem>>, %arg4: memref<1x16xf32, #tpu.memory_space<vmem>>, %arg5: memref<1x16xf32, #tpu.memory_space<vmem>>, %arg6: memref<10000x256xf32, #tpu.memory_space<vmem>>, %arg7: memref<256x256xf32, #tpu.memory_space<vmem>>, %arg8: memref<1x256xf32, #tpu.memory_space<vmem>>, %arg9: memref<1x256xf32, #tpu.memory_space<vmem>>, %arg10: memref<1x256xf32, #tpu.memory_space<vmem>>, %arg11: memref<128x768xf32, #tpu.memory_space<vmem>>, %arg12: memref<1x128xf32, #tpu.memory_space<vmem>>, %arg13: memref<1x128xf32, #tpu.memory_space<vmem>>) attributes {dimension_semantics = [], scalar_prefetch = 0 : i64, scratch_operands = 0 : i64, tpu.core_type = #tpu.core_type<tc>} {
    %get3A = arith.constant 0 : index
    %get3A_0 = arith.constant 0 : index
    %get3A_1 = vector.load %arg4[%get3A, %get3A_0] : memref<1x16xf32, #tpu.memory_space<vmem>>, vector<1x1xf32>
    %get3A_2 = arith.constant 0 : index
    %get3A_3 = arith.constant 0 : index
    %get3A_4 = vector.load %arg5[%get3A_2, %get3A_3] : memref<1x16xf32, #tpu.memory_space<vmem>>, vector<1x1xf32>
    %max3A = arith.maximumf %get3A_1, %get3A_4 : vector<1x1xf32>
    %sub3A = arith.subf %get3A_1, %max3A : vector<1x1xf32>
    %exp3A = math.exp %sub3A : vector<1x1xf32>
    %sub3A_5 = arith.subf %get3A_4, %max3A : vector<1x1xf32>
    %exp3A_6 = math.exp %sub3A_5 : vector<1x1xf32>
    %get3A_7 = arith.constant 0 : index
    %get3A_8 = arith.constant 0 : index
    %get3A_9 = vector.load %arg0[%get3A_7, %get3A_8] : memref<32x10000xf32, #tpu.memory_space<vmem>>, vector<32x10000xf32>
    %reduce_sum3A = arith.constant dense<0.000000e+00> : vector<10000xf32>
    %reduce_sum3A_10 = vector.multi_reduction <add>, %get3A_9, %reduce_sum3A [0] : vector<32x10000xf32> to vector<10000xf32>
    %broadcast_in_dim3A = vector.shape_cast %reduce_sum3A_10 : vector<10000xf32> to vector<1x10000xf32>
    %mul3A = vector.broadcast %exp3A : vector<1x1xf32> to vector<1x10000xf32>
    %mul3A_11 = arith.mulf %mul3A, %broadcast_in_dim3A : vector<1x10000xf32>
    %get3A_12 = arith.constant 0 : index
    %get3A_13 = arith.constant 0 : index
    %get3A_14 = vector.load %arg2[%get3A_12, %get3A_13] : memref<32x10000xf32, #tpu.memory_space<vmem>>, vector<32x10000xf32>
    %reduce_sum3A_15 = arith.constant dense<0.000000e+00> : vector<10000xf32>
    %reduce_sum3A_16 = vector.multi_reduction <add>, %get3A_14, %reduce_sum3A_15 [0] : vector<32x10000xf32> to vector<10000xf32>
    %broadcast_in_dim3A_17 = vector.shape_cast %reduce_sum3A_16 : vector<10000xf32> to vector<1x10000xf32>
    %mul3A_18 = vector.broadcast %exp3A_6 : vector<1x1xf32> to vector<1x10000xf32>
    %mul3A_19 = arith.mulf %mul3A_18, %broadcast_in_dim3A_17 : vector<1x10000xf32>
    %add3A = arith.addf %mul3A_11, %mul3A_19 : vector<1x10000xf32>
    %get3A_20 = arith.constant 0 : index
    %get3A_21 = arith.constant 0 : index
    %get3A_22 = vector.load %arg1[%get3A_20, %get3A_21] : memref<32x10000xf32, #tpu.memory_space<vmem>>, vector<32x10000xf32>
    %reduce_sum3A_23 = arith.constant dense<0.000000e+00> : vector<10000xf32>
    %reduce_sum3A_24 = vector.multi_reduction <add>, %get3A_22, %reduce_sum3A_23 [0] : vector<32x10000xf32> to vector<10000xf32>
    %broadcast_in_dim3A_25 = vector.shape_cast %reduce_sum3A_24 : vector<10000xf32> to vector<1x10000xf32>
    %mul3A_26 = vector.broadcast %exp3A : vector<1x1xf32> to vector<1x10000xf32>
    %mul3A_27 = arith.mulf %mul3A_26, %broadcast_in_dim3A_25 : vector<1x10000xf32>
    %get3A_28 = arith.constant 0 : index
    %get3A_29 = arith.constant 0 : index
    %get3A_30 = vector.load %arg3[%get3A_28, %get3A_29] : memref<32x10000xf32, #tpu.memory_space<vmem>>, vector<32x10000xf32>
    %reduce_sum3A_31 = arith.constant dense<0.000000e+00> : vector<10000xf32>
    %reduce_sum3A_32 = vector.multi_reduction <add>, %get3A_30, %reduce_sum3A_31 [0] : vector<32x10000xf32> to vector<10000xf32>
    %broadcast_in_dim3A_33 = vector.shape_cast %reduce_sum3A_32 : vector<10000xf32> to vector<1x10000xf32>
    %mul3A_34 = vector.broadcast %exp3A_6 : vector<1x1xf32> to vector<1x10000xf32>
    %mul3A_35 = arith.mulf %mul3A_34, %broadcast_in_dim3A_33 : vector<1x10000xf32>
    %add3A_36 = arith.addf %mul3A_27, %mul3A_35 : vector<1x10000xf32>
    %reduce_sum3A_37 = arith.constant dense<0.000000e+00> : vector<1xf32>
    %reduce_sum3A_38 = vector.multi_reduction <add>, %add3A, %reduce_sum3A_37 [1] : vector<1x10000xf32> to vector<1xf32>
    %broadcast_in_dim3A_39 = vector.shape_cast %reduce_sum3A_38 : vector<1xf32> to vector<1x1xf32>
    %div3A = vector.broadcast %broadcast_in_dim3A_39 : vector<1x1xf32> to vector<1x10000xf32>
    %div3A_40 = arith.divf %add3A, %div3A : vector<1x10000xf32>
    %add3A_41 = arith.constant 1.000000e+00 : f32
    %add3A_42 = vector.broadcast %add3A_41 : f32 to vector<1x10000xf32>
    %add3A_43 = arith.addf %div3A_40, %add3A_42 : vector<1x10000xf32>
    %rsqrt3A = math.rsqrt %add3A_43 : vector<1x10000xf32>
    %div3A_44 = vector.broadcast %broadcast_in_dim3A_39 : vector<1x1xf32> to vector<1x10000xf32>
    %div3A_45 = arith.divf %add3A_36, %div3A_44 : vector<1x10000xf32>
    %mul3A_46 = arith.mulf %rsqrt3A, %div3A_45 : vector<1x10000xf32>
    %iota3A = tpu.iota {dimensions = array<i32: 1>} : vector<1x10000xi32>
    %eq3A = arith.constant 0 : i32
    %eq3A_47 = vector.broadcast %eq3A : i32 to vector<1x10000xi32>
    %eq3A_48 = arith.cmpi eq, %iota3A, %eq3A_47 : vector<1x10000xi32>
    %jit3A = arith.constant 0.000000e+00 : f32
    %broadcast_in_dim3A_49 = vector.broadcast %jit3A : f32 to vector<1x10000xf32>
    %select_n3A = arith.select %eq3A_48, %rsqrt3A, %broadcast_in_dim3A_49 : vector<1x10000xi1>, vector<1x10000xf32>
    %add3A_50 = arith.addf %mul3A_46, %select_n3A : vector<1x10000xf32>
    %get3A_51 = arith.constant 0 : index
    %get3A_52 = arith.constant 0 : index
    %get3A_53 = vector.load %arg6[%get3A_51, %get3A_52] : memref<10000x256xf32, #tpu.memory_space<vmem>>, vector<10000x256xf32>
    %dot_general3A = arith.constant dense<0.000000e+00> : vector<1x256xf32>
    %dot_general3A_54 = tpu.matmul %add3A_50, %get3A_53, %dot_general3A {dimension_numbers = #tpu.dot_dimension_numbers<[1], [0], [0], [1], [0, 0, 1, 1], [], []>, transpose_lhs_hint = false} : vector<1x10000xf32>, vector<10000x256xf32>, vector<1x256xf32> -> vector<1x256xf32>
    %slice3A = vector.extract_strided_slice %rsqrt3A {offsets = [0, 0], sizes = [1, 1], strides = [1, 1]} : vector<1x10000xf32> to vector<1x1xf32>
    %get3A_55 = arith.constant 0 : index
    %get3A_56 = arith.constant 0 : index
    %get3A_57 = vector.load %arg7[%get3A_55, %get3A_56] : memref<256x256xf32, #tpu.memory_space<vmem>>, vector<256x256xf32>
    %dot_general3A_58 = arith.constant dense<0.000000e+00> : vector<1x256xf32>
    %dot_general3A_59 = tpu.matmul %dot_general3A_54, %get3A_57, %dot_general3A_58 {dimension_numbers = #tpu.dot_dimension_numbers<[1], [1], [0], [0], [0, 0, 1, 0], [], []>, transpose_lhs_hint = false} : vector<1x256xf32>, vector<256x256xf32>, vector<1x256xf32> -> vector<1x256xf32>
    %mul3A_60 = vector.broadcast %slice3A : vector<1x1xf32> to vector<1x256xf32>
    %mul3A_61 = arith.mulf %mul3A_60, %dot_general3A_59 : vector<1x256xf32>
    %get3A_62 = arith.constant 0 : index
    %get3A_63 = arith.constant 0 : index
    %get3A_64 = vector.load %arg8[%get3A_62, %get3A_63] : memref<1x256xf32, #tpu.memory_space<vmem>>, vector<1x256xf32>
    %add3A_65 = arith.addf %mul3A_61, %get3A_64 : vector<1x256xf32>
    %get3A_66 = arith.constant 0 : index
    %get3A_67 = arith.constant 0 : index
    %get3A_68 = vector.load %arg9[%get3A_66, %get3A_67] : memref<1x256xf32, #tpu.memory_space<vmem>>, vector<1x256xf32>
    %get3A_69 = arith.constant 0 : index
    %get3A_70 = arith.constant 0 : index
    %get3A_71 = vector.load %arg10[%get3A_69, %get3A_70] : memref<1x256xf32, #tpu.memory_space<vmem>>, vector<1x256xf32>
    %concatenate3A = tpu.concatenate %add3A_65, %get3A_68, %get3A_71 in 1 : vector<1x256xf32>, vector<1x256xf32>, vector<1x256xf32> -> vector<1x768xf32>
    %get3A_72 = arith.constant 0 : index
    %get3A_73 = arith.constant 0 : index
    %get3A_74 = vector.load %arg11[%get3A_72, %get3A_73] : memref<128x768xf32, #tpu.memory_space<vmem>>, vector<128x768xf32>
    %dot_general3A_75 = arith.constant dense<0.000000e+00> : vector<1x128xf32>
    %dot_general3A_76 = tpu.matmul %concatenate3A, %get3A_74, %dot_general3A_75 {dimension_numbers = #tpu.dot_dimension_numbers<[1], [1], [0], [0], [0, 0, 1, 0], [], []>, transpose_lhs_hint = false} : vector<1x768xf32>, vector<128x768xf32>, vector<1x128xf32> -> vector<1x128xf32>
    %get3A_77 = arith.constant 0 : index
    %get3A_78 = arith.constant 0 : index
    %get3A_79 = vector.load %arg12[%get3A_77, %get3A_78] : memref<1x128xf32, #tpu.memory_space<vmem>>, vector<1x128xf32>
    %add3A_80 = arith.addf %dot_general3A_76, %get3A_79 : vector<1x128xf32>
    %reduce_max3A = arith.constant dense<0xFF800000> : vector<1xf32>
    %reduce_max3A_81 = vector.multi_reduction <maximumf>, %add3A_80, %reduce_max3A [1] : vector<1x128xf32> to vector<1xf32>
    %broadcast_in_dim3A_82 = vector.shape_cast %reduce_max3A_81 : vector<1xf32> to vector<1x1xf32>
    %sub3A_83 = vector.broadcast %broadcast_in_dim3A_82 : vector<1x1xf32> to vector<1x128xf32>
    %sub3A_84 = arith.subf %add3A_80, %sub3A_83 : vector<1x128xf32>
    %exp3A_85 = math.exp %sub3A_84 : vector<1x128xf32>
    %reduce_sum3A_86 = arith.constant dense<0.000000e+00> : vector<1xf32>
    %reduce_sum3A_87 = vector.multi_reduction <add>, %exp3A_85, %reduce_sum3A_86 [1] : vector<1x128xf32> to vector<1xf32>
    %broadcast_in_dim3A_88 = vector.shape_cast %reduce_sum3A_87 : vector<1xf32> to vector<1x1xf32>
    %log3A = math.log %broadcast_in_dim3A_88 : vector<1x1xf32>
    %sub3A_89 = vector.broadcast %log3A : vector<1x1xf32> to vector<1x128xf32>
    %sub3A_90 = arith.subf %sub3A_84, %sub3A_89 : vector<1x128xf32>
    %swap3A = arith.constant 0 : index
    %swap3A_91 = arith.constant 0 : index
    %swap3A_92 = vector.load %arg13[%swap3A, %swap3A_91] : memref<1x128xf32, #tpu.memory_space<vmem>>, vector<1x128xf32>
    tpu.vector_store %arg13[%swap3A, %swap3A_91], %sub3A_90 {strides = array<i32>} : memref<1x128xf32, #tpu.memory_space<vmem>>, vector<1x128xf32>,
    return
  }
}

module attributes {stable_mosaic.version = 14 : i64} {
  func.func @_body(%arg0: i32, %arg1: memref<8x256xf32, #tpu.memory_space<vmem>>, %arg2: memref<256x256xf32, #tpu.memory_space<vmem>>, %arg3: memref<16000x256xf32, #tpu.memory_space<vmem>>, %arg4: memref<2x32000xi32, #tpu.memory_space<vmem>>, %arg5: memref<80000xf32, #tpu.memory_space<vmem>>, %arg6: memref<1x16xf32, #tpu.memory_space<vmem>>, %arg7: memref<320000xi32, #tpu.memory_space<vmem>>, %arg8: memref<1x256xf32, #tpu.memory_space<vmem>>, %arg9: memref<1x1xf32, #tpu.memory_space<vmem>>) attributes {dimension_semantics = [#tpu.dimension_semantics<arbitrary>], iteration_bounds = array<i64: 5>, scalar_prefetch = 0 : i64, scratch_operands = 2 : i64, tpu.core_type = #tpu.core_type<tc>, window_params = [{transform_indices = @transform_0, window_bounds = array<i64: 8, 256>}, {pipeline_mode = #tpu.pipeline_mode<synchronous>, transform_indices = @transform_1, window_bounds = array<i64: 256, 256>}, {transform_indices = @transform_2, window_bounds = array<i64: 16000, 256>}, {transform_indices = @transform_3, window_bounds = array<i64: 2, 32000>}, {pipeline_mode = #tpu.pipeline_mode<synchronous>, transform_indices = @transform_4, window_bounds = array<i64: 80000>}, {pipeline_mode = #tpu.pipeline_mode<synchronous>, transform_indices = @transform_5, window_bounds = array<i64: 1, 16>}, {pipeline_mode = #tpu.pipeline_mode<synchronous>, transform_indices = @transform_6, window_bounds = array<i64: 320000>}]} {
    %eq3A = arith.constant 0 : i32
    %eq3A_0 = arith.cmpi eq, %arg0, %eq3A : i32
    %convert_element_type3A = arith.extui %eq3A_0 : i1 to i32
    %cond3A = arith.constant 0 : i32
    %cond3A_1 = arith.cmpi ne, %convert_element_type3A, %cond3A : i32
    scf.if %cond3A_1 {
      %get3A_42 = arith.constant 0 : index
      %get3A_43 = arith.constant 0 : index
      %get3A_44 = vector.load %arg1[%get3A_42, %get3A_43] : memref<8x256xf32, #tpu.memory_space<vmem>>, vector<1x256xf32>
      %get3A_45 = arith.constant 0 : index
      %get3A_46 = arith.constant 0 : index
      %get3A_47 = vector.load %arg2[%get3A_45, %get3A_46] : memref<256x256xf32, #tpu.memory_space<vmem>>, vector<256x256xf32>
      %dot_general3A_48 = arith.constant dense<0.000000e+00> : vector<1x256xf32>
      %dot_general3A_49 = tpu.matmul %get3A_44, %get3A_47, %dot_general3A_48 {dimension_numbers = #tpu.dot_dimension_numbers<[1], [1], [0], [0], [0, 0, 1, 0], [], []>, transpose_lhs_hint = false} : vector<1x256xf32>, vector<256x256xf32>, vector<1x256xf32> -> vector<1x256xf32>
      %swap3A_50 = arith.constant 0 : index
      %swap3A_51 = arith.constant 0 : index
      %swap3A_52 = vector.load %arg8[%swap3A_50, %swap3A_51] : memref<1x256xf32, #tpu.memory_space<vmem>>, vector<1x256xf32>
      tpu.vector_store %arg8[%swap3A_50, %swap3A_51], %dot_general3A_49 {strides = array<i32>} : memref<1x256xf32, #tpu.memory_space<vmem>>, vector<1x256xf32>,
    } else {
    }
    %get3A = arith.constant 0 : index
    %get3A_2 = arith.constant 0 : index
    %get3A_3 = vector.load %arg8[%get3A, %get3A_2] : memref<1x256xf32, #tpu.memory_space<vmem>>, vector<1x256xf32>
    %get3A_4 = arith.constant 0 : index
    %get3A_5 = arith.constant 0 : index
    %get3A_6 = vector.load %arg3[%get3A_4, %get3A_5] : memref<16000x256xf32, #tpu.memory_space<vmem>>, vector<16000x256xf32>
    %dot_general3A = arith.constant dense<0.000000e+00> : vector<1x16000xf32>
    %dot_general3A_7 = tpu.matmul %get3A_3, %get3A_6, %dot_general3A {dimension_numbers = #tpu.dot_dimension_numbers<[1], [1], [0], [0], [0, 0, 1, 0], [], []>, transpose_lhs_hint = false} : vector<1x256xf32>, vector<16000x256xf32>, vector<1x16000xf32> -> vector<1x16000xf32>
    %squeeze3A = vector.shape_cast %dot_general3A_7 : vector<1x16000xf32> to vector<16000xf32>
    %mul3A = arith.constant 16000 : i32
    %mul3A_8 = arith.muli %arg0, %mul3A : i32
    %swap3A = arith.index_cast %mul3A_8 : i32 to index
    %swap3A_9 = vector.load %arg5[%swap3A] : memref<80000xf32, #tpu.memory_space<vmem>>, vector<16000xf32>
    tpu.vector_store %arg5[%swap3A], %squeeze3A {strides = array<i32>} : memref<80000xf32, #tpu.memory_space<vmem>>, vector<16000xf32>,
    %reduce_max3A = arith.constant dense<0xFF800000> : vector<1xf32>
    %reduce_max3A_10 = vector.multi_reduction <maximumf>, %dot_general3A_7, %reduce_max3A [1] : vector<1x16000xf32> to vector<1xf32>
    %broadcast_in_dim3A = vector.shape_cast %reduce_max3A_10 : vector<1xf32> to vector<1x1xf32>
    %get3A_11 = arith.constant 0 : index
    %get3A_12 = arith.constant 0 : index
    %get3A_13 = vector.load %arg4[%get3A_11, %get3A_12] : memref<2x32000xi32, #tpu.memory_space<vmem>>, vector<1x32000xi32>
    %get3A_14 = vector.shape_cast %get3A_13 : vector<1x32000xi32> to vector<32000xi32>
    %mul3A_15 = arith.constant 32000 : i32
    %mul3A_16 = arith.muli %arg0, %mul3A_15 : i32
    %swap3A_17 = arith.index_cast %mul3A_16 : i32 to index
    %swap3A_18 = vector.load %arg7[%swap3A_17] : memref<320000xi32, #tpu.memory_space<vmem>>, vector<32000xi32>
    tpu.vector_store %arg7[%swap3A_17], %get3A_14 {strides = array<i32>} : memref<320000xi32, #tpu.memory_space<vmem>>, vector<32000xi32>,
    %get3A_19 = arith.constant 1 : index
    %get3A_20 = arith.constant 0 : index
    %get3A_21 = vector.load %arg4[%get3A_19, %get3A_20] : memref<2x32000xi32, #tpu.memory_space<vmem>>, vector<1x32000xi32>
    %get3A_22 = vector.shape_cast %get3A_21 : vector<1x32000xi32> to vector<32000xi32>
    %mul3A_23 = arith.constant 32000 : i32
    %mul3A_24 = arith.muli %arg0, %mul3A_23 : i32
    %add3A = arith.constant 160000 : i32
    %add3A_25 = arith.addi %add3A, %mul3A_24 : i32
    %swap3A_26 = arith.index_cast %add3A_25 : i32 to index
    %swap3A_27 = vector.load %arg7[%swap3A_26] : memref<320000xi32, #tpu.memory_space<vmem>>, vector<32000xi32>
    tpu.vector_store %arg7[%swap3A_26], %get3A_22 {strides = array<i32>} : memref<320000xi32, #tpu.memory_space<vmem>>, vector<32000xi32>,
    %eq3A_28 = arith.constant 0 : i32
    %eq3A_29 = arith.cmpi eq, %arg0, %eq3A_28 : i32
    %convert_element_type3A_30 = arith.extui %eq3A_29 : i1 to i32
    %cond3A_31 = arith.constant 0 : i32
    %cond3A_32 = arith.cmpi ne, %convert_element_type3A_30, %cond3A_31 : i32
    scf.if %cond3A_32 {
      %swap3A_42 = arith.constant 0 : index
      %swap3A_43 = arith.constant 0 : index
      %swap3A_44 = vector.load %arg9[%swap3A_42, %swap3A_43] : memref<1x1xf32, #tpu.memory_space<vmem>>, vector<1x1xf32>
      tpu.vector_store %arg9[%swap3A_42, %swap3A_43], %broadcast_in_dim3A {strides = array<i32>} : memref<1x1xf32, #tpu.memory_space<vmem>>, vector<1x1xf32>,
    } else {
    }
    %gt3A = arith.constant 0 : i32
    %gt3A_33 = arith.cmpi sgt, %arg0, %gt3A : i32
    %convert_element_type3A_34 = arith.extui %gt3A_33 : i1 to i32
    %cond3A_35 = arith.constant 0 : i32
    %cond3A_36 = arith.cmpi ne, %convert_element_type3A_34, %cond3A_35 : i32
    scf.if %cond3A_36 {
      %get3A_42 = arith.constant 0 : index
      %get3A_43 = arith.constant 0 : index
      %get3A_44 = vector.load %arg9[%get3A_42, %get3A_43] : memref<1x1xf32, #tpu.memory_space<vmem>>, vector<1x1xf32>
      %max3A = arith.maximumf %get3A_44, %broadcast_in_dim3A : vector<1x1xf32>
      %swap3A_45 = arith.constant 0 : index
      %swap3A_46 = arith.constant 0 : index
      %swap3A_47 = vector.load %arg9[%swap3A_45, %swap3A_46] : memref<1x1xf32, #tpu.memory_space<vmem>>, vector<1x1xf32>
      tpu.vector_store %arg9[%swap3A_45, %swap3A_46], %max3A {strides = array<i32>} : memref<1x1xf32, #tpu.memory_space<vmem>>, vector<1x1xf32>,
    } else {
    }
    %eq3A_37 = arith.constant 4 : i32
    %eq3A_38 = arith.cmpi eq, %arg0, %eq3A_37 : i32
    %convert_element_type3A_39 = arith.extui %eq3A_38 : i1 to i32
    %cond3A_40 = arith.constant 0 : i32
    %cond3A_41 = arith.cmpi ne, %convert_element_type3A_39, %cond3A_40 : i32
    scf.if %cond3A_41 {
      %get3A_42 = arith.constant 0 : index
      %get3A_43 = arith.constant 0 : index
      %get3A_44 = vector.load %arg9[%get3A_42, %get3A_43] : memref<1x1xf32, #tpu.memory_space<vmem>>, vector<1x1xf32>
      %broadcast_in_dim3A_45 = vector.shape_cast %get3A_44 : vector<1x1xf32> to vector<1x1xf32>
      %broadcast_in_dim3A_46 = vector.broadcast %broadcast_in_dim3A_45 : vector<1x1xf32> to vector<1x16xf32>
      %swap3A_47 = arith.constant 0 : index
      %swap3A_48 = arith.constant 0 : index
      %swap3A_49 = vector.load %arg6[%swap3A_47, %swap3A_48] : memref<1x16xf32, #tpu.memory_space<vmem>>, vector<1x16xf32>
      tpu.vector_store %arg6[%swap3A_47, %swap3A_48], %broadcast_in_dim3A_46 {strides = array<i32>} : memref<1x16xf32, #tpu.memory_space<vmem>>, vector<1x16xf32>,
    } else {
    }
    return
  }
  func.func @transform_0(%arg0: i32) -> (i32, i32) {
    %c0_i32 = arith.constant 0 : i32
    %c0_i32_0 = arith.constant 0 : i32
    %c0_i32_1 = arith.constant 0 : i32
    return %c0_i32, %c0_i32_0 : i32, i32
  }
  func.func @transform_1(%arg0: i32) -> (i32, i32) {
    %c0_i32 = arith.constant 0 : i32
    %c0_i32_0 = arith.constant 0 : i32
    %c0_i32_1 = arith.constant 0 : i32
    return %c0_i32, %c0_i32_0 : i32, i32
  }
  func.func @transform_2(%arg0: i32) -> (i32, i32) {
    %add3A = arith.constant 0 : i32
    %add3A_0 = arith.addi %arg0, %add3A : i32
    %c0_i32 = arith.constant 0 : i32
    %c0_i32_1 = arith.constant 0 : i32
    return %add3A_0, %c0_i32 : i32, i32
  }
  func.func @transform_3(%arg0: i32) -> (i32, i32) {
    %c0_i32 = arith.constant 0 : i32
    %c0_i32_0 = arith.constant 0 : i32
    return %c0_i32, %arg0 : i32, i32
  }
  func.func @transform_4(%arg0: i32) -> i32 {
    %c0_i32 = arith.constant 0 : i32
    %c0_i32_0 = arith.constant 0 : i32
    return %c0_i32 : i32
  }
  func.func @transform_5(%arg0: i32) -> (i32, i32) {
    %c0_i32 = arith.constant 0 : i32
    %c0_i32_0 = arith.constant 0 : i32
    %c0_i32_1 = arith.constant 0 : i32
    return %c0_i32, %c0_i32_0 : i32, i32
  }
  func.func @transform_6(%arg0: i32) -> i32 {
    %c0_i32 = arith.constant 0 : i32
    %c0_i32_0 = arith.constant 0 : i32
    return %c0_i32 : i32
  }
}

module attributes {stable_mosaic.version = 14 : i64} {
  func.func @_body(%arg0: i32, %arg1: memref<8x256xf32, #tpu.memory_space<vmem>>, %arg2: memref<256x256xf32, #tpu.memory_space<vmem>>, %arg3: memref<16000x256xf32, #tpu.memory_space<vmem>>, %arg4: memref<80000xf32, #tpu.memory_space<vmem>>, %arg5: memref<1x16xf32, #tpu.memory_space<vmem>>, %arg6: memref<1x256xf32, #tpu.memory_space<vmem>>, %arg7: memref<1x1xf32, #tpu.memory_space<vmem>>) attributes {dimension_semantics = [#tpu.dimension_semantics<arbitrary>], iteration_bounds = array<i64: 5>, scalar_prefetch = 0 : i64, scratch_operands = 2 : i64, tpu.core_type = #tpu.core_type<tc>, window_params = [{transform_indices = @transform_0, window_bounds = array<i64: 8, 256>}, {pipeline_mode = #tpu.pipeline_mode<synchronous>, transform_indices = @transform_1, window_bounds = array<i64: 256, 256>}, {transform_indices = @transform_2, window_bounds = array<i64: 16000, 256>}, {pipeline_mode = #tpu.pipeline_mode<synchronous>, transform_indices = @transform_3, window_bounds = array<i64: 80000>}, {pipeline_mode = #tpu.pipeline_mode<synchronous>, transform_indices = @transform_4, window_bounds = array<i64: 1, 16>}]} {
    %eq3A = arith.constant 0 : i32
    %eq3A_0 = arith.cmpi eq, %arg0, %eq3A : i32
    %convert_element_type3A = arith.extui %eq3A_0 : i1 to i32
    %cond3A = arith.constant 0 : i32
    %cond3A_1 = arith.cmpi ne, %convert_element_type3A, %cond3A : i32
    scf.if %cond3A_1 {
      %get3A_25 = arith.constant 0 : index
      %get3A_26 = arith.constant 0 : index
      %get3A_27 = vector.load %arg1[%get3A_25, %get3A_26] : memref<8x256xf32, #tpu.memory_space<vmem>>, vector<1x256xf32>
      %get3A_28 = arith.constant 0 : index
      %get3A_29 = arith.constant 0 : index
      %get3A_30 = vector.load %arg2[%get3A_28, %get3A_29] : memref<256x256xf32, #tpu.memory_space<vmem>>, vector<256x256xf32>
      %dot_general3A_31 = arith.constant dense<0.000000e+00> : vector<1x256xf32>
      %dot_general3A_32 = tpu.matmul %get3A_27, %get3A_30, %dot_general3A_31 {dimension_numbers = #tpu.dot_dimension_numbers<[1], [1], [0], [0], [0, 0, 1, 0], [], []>, transpose_lhs_hint = false} : vector<1x256xf32>, vector<256x256xf32>, vector<1x256xf32> -> vector<1x256xf32>
      %swap3A_33 = arith.constant 0 : index
      %swap3A_34 = arith.constant 0 : index
      %swap3A_35 = vector.load %arg6[%swap3A_33, %swap3A_34] : memref<1x256xf32, #tpu.memory_space<vmem>>, vector<1x256xf32>
      tpu.vector_store %arg6[%swap3A_33, %swap3A_34], %dot_general3A_32 {strides = array<i32>} : memref<1x256xf32, #tpu.memory_space<vmem>>, vector<1x256xf32>,
    } else {
    }
    %get3A = arith.constant 0 : index
    %get3A_2 = arith.constant 0 : index
    %get3A_3 = vector.load %arg6[%get3A, %get3A_2] : memref<1x256xf32, #tpu.memory_space<vmem>>, vector<1x256xf32>
    %get3A_4 = arith.constant 0 : index
    %get3A_5 = arith.constant 0 : index
    %get3A_6 = vector.load %arg3[%get3A_4, %get3A_5] : memref<16000x256xf32, #tpu.memory_space<vmem>>, vector<16000x256xf32>
    %dot_general3A = arith.constant dense<0.000000e+00> : vector<1x16000xf32>
    %dot_general3A_7 = tpu.matmul %get3A_3, %get3A_6, %dot_general3A {dimension_numbers = #tpu.dot_dimension_numbers<[1], [1], [0], [0], [0, 0, 1, 0], [], []>, transpose_lhs_hint = false} : vector<1x256xf32>, vector<16000x256xf32>, vector<1x16000xf32> -> vector<1x16000xf32>
    %squeeze3A = vector.shape_cast %dot_general3A_7 : vector<1x16000xf32> to vector<16000xf32>
    %mul3A = arith.constant 16000 : i32
    %mul3A_8 = arith.muli %arg0, %mul3A : i32
    %swap3A = arith.index_cast %mul3A_8 : i32 to index
    %swap3A_9 = vector.load %arg4[%swap3A] : memref<80000xf32, #tpu.memory_space<vmem>>, vector<16000xf32>
    tpu.vector_store %arg4[%swap3A], %squeeze3A {strides = array<i32>} : memref<80000xf32, #tpu.memory_space<vmem>>, vector<16000xf32>,
    %reduce_max3A = arith.constant dense<0xFF800000> : vector<1xf32>
    %reduce_max3A_10 = vector.multi_reduction <maximumf>, %dot_general3A_7, %reduce_max3A [1] : vector<1x16000xf32> to vector<1xf32>
    %broadcast_in_dim3A = vector.shape_cast %reduce_max3A_10 : vector<1xf32> to vector<1x1xf32>
    %eq3A_11 = arith.constant 0 : i32
    %eq3A_12 = arith.cmpi eq, %arg0, %eq3A_11 : i32
    %convert_element_type3A_13 = arith.extui %eq3A_12 : i1 to i32
    %cond3A_14 = arith.constant 0 : i32
    %cond3A_15 = arith.cmpi ne, %convert_element_type3A_13, %cond3A_14 : i32
    scf.if %cond3A_15 {
      %swap3A_25 = arith.constant 0 : index
      %swap3A_26 = arith.constant 0 : index
      %swap3A_27 = vector.load %arg7[%swap3A_25, %swap3A_26] : memref<1x1xf32, #tpu.memory_space<vmem>>, vector<1x1xf32>
      tpu.vector_store %arg7[%swap3A_25, %swap3A_26], %broadcast_in_dim3A {strides = array<i32>} : memref<1x1xf32, #tpu.memory_space<vmem>>, vector<1x1xf32>,
    } else {
    }
    %gt3A = arith.constant 0 : i32
    %gt3A_16 = arith.cmpi sgt, %arg0, %gt3A : i32
    %convert_element_type3A_17 = arith.extui %gt3A_16 : i1 to i32
    %cond3A_18 = arith.constant 0 : i32
    %cond3A_19 = arith.cmpi ne, %convert_element_type3A_17, %cond3A_18 : i32
    scf.if %cond3A_19 {
      %get3A_25 = arith.constant 0 : index
      %get3A_26 = arith.constant 0 : index
      %get3A_27 = vector.load %arg7[%get3A_25, %get3A_26] : memref<1x1xf32, #tpu.memory_space<vmem>>, vector<1x1xf32>
      %max3A = arith.maximumf %get3A_27, %broadcast_in_dim3A : vector<1x1xf32>
      %swap3A_28 = arith.constant 0 : index
      %swap3A_29 = arith.constant 0 : index
      %swap3A_30 = vector.load %arg7[%swap3A_28, %swap3A_29] : memref<1x1xf32, #tpu.memory_space<vmem>>, vector<1x1xf32>
      tpu.vector_store %arg7[%swap3A_28, %swap3A_29], %max3A {strides = array<i32>} : memref<1x1xf32, #tpu.memory_space<vmem>>, vector<1x1xf32>,
    } else {
    }
    %eq3A_20 = arith.constant 4 : i32
    %eq3A_21 = arith.cmpi eq, %arg0, %eq3A_20 : i32
    %convert_element_type3A_22 = arith.extui %eq3A_21 : i1 to i32
    %cond3A_23 = arith.constant 0 : i32
    %cond3A_24 = arith.cmpi ne, %convert_element_type3A_22, %cond3A_23 : i32
    scf.if %cond3A_24 {
      %get3A_25 = arith.constant 0 : index
      %get3A_26 = arith.constant 0 : index
      %get3A_27 = vector.load %arg7[%get3A_25, %get3A_26] : memref<1x1xf32, #tpu.memory_space<vmem>>, vector<1x1xf32>
      %broadcast_in_dim3A_28 = vector.shape_cast %get3A_27 : vector<1x1xf32> to vector<1x1xf32>
      %broadcast_in_dim3A_29 = vector.broadcast %broadcast_in_dim3A_28 : vector<1x1xf32> to vector<1x16xf32>
      %swap3A_30 = arith.constant 0 : index
      %swap3A_31 = arith.constant 0 : index
      %swap3A_32 = vector.load %arg5[%swap3A_30, %swap3A_31] : memref<1x16xf32, #tpu.memory_space<vmem>>, vector<1x16xf32>
      tpu.vector_store %arg5[%swap3A_30, %swap3A_31], %broadcast_in_dim3A_29 {strides = array<i32>} : memref<1x16xf32, #tpu.memory_space<vmem>>, vector<1x16xf32>,
    } else {
    }
    return
  }
  func.func @transform_0(%arg0: i32) -> (i32, i32) {
    %c0_i32 = arith.constant 0 : i32
    %c0_i32_0 = arith.constant 0 : i32
    %c0_i32_1 = arith.constant 0 : i32
    return %c0_i32, %c0_i32_0 : i32, i32
  }
  func.func @transform_1(%arg0: i32) -> (i32, i32) {
    %c0_i32 = arith.constant 0 : i32
    %c0_i32_0 = arith.constant 0 : i32
    %c0_i32_1 = arith.constant 0 : i32
    return %c0_i32, %c0_i32_0 : i32, i32
  }
  func.func @transform_2(%arg0: i32) -> (i32, i32) {
    %add3A = arith.constant 5 : i32
    %add3A_0 = arith.addi %arg0, %add3A : i32
    %c0_i32 = arith.constant 0 : i32
    %c0_i32_1 = arith.constant 0 : i32
    return %add3A_0, %c0_i32 : i32, i32
  }
  func.func @transform_3(%arg0: i32) -> i32 {
    %c0_i32 = arith.constant 0 : i32
    %c0_i32_0 = arith.constant 0 : i32
    return %c0_i32 : i32
  }
  func.func @transform_4(%arg0: i32) -> (i32, i32) {
    %c0_i32 = arith.constant 0 : i32
    %c0_i32_0 = arith.constant 0 : i32
    %c0_i32_1 = arith.constant 0 : i32
    return %c0_i32, %c0_i32_0 : i32, i32
  }
}

</mosaic_0001>

<sc_bundles>
// kernel: kernel.10.cloned.1.call-start
scs
__scs_entry_jumppad:
0x0: {  	(pc) =	sbr.rel $0x88, $3  }
0x1: {  	(tag) =	ssettag $0x0;
	lr =	simm.s32 $0x1  }
0x2: {  	[smem:$0x3F97] =	sst lr;
	_ =	strace $0xD0000000  }
0x3: {  	_ = 	snop  }
0x4: {  	_ = 	snop  }
0x5: {  	_ = 	snop  }
0x6: {  	_ = 	snop  }
0x7: {  	_ = 	snop  }
__scs_overlays_trampoline_lowered:
0x8: {  	[smem:$0x3FA6] =	sst s0  }
0x9: {  	[smem:$0x3FA7] =	sst s1  }
0xa: {  	[smem:$0x3FA8] =	sst s2  }
0xb: {  	[smem:$0x3FA9] =	sst s3  }
0xc: {  	[smem:$0x3FAA] =	sst s4  }
0xd: {  	[smem:$0x3FAB] =	sst s5  }
0xe: {  	[smem:$0x3FAC] =	sst s6  }
0xf: {  	[smem:$0x3FAD] =	sst s7  }
0x10: {  	[smem:$0x3FAE] =	sst s8  }
0x11: {  	[smem:$0x3FAF] =	sst s9;
	s0 =	simm.s32 @!p0 $0x0  }
0x12: {  	s1 =	sld [smem:$0x3F95];
	s0 =	simm.s32 @p0 $0x1  }
0x13: {  	[smem:$0x3FB0] =	sst s0;
	s0 =	simm.s32 @!p1 $0x0  }
0x14: {  	s2 =	sld [smem:$0x3F94];
	s0 =	simm.s32 @p1 $0x1  }
0x15: {  	[smem:$0x3FB1] =	sst s0;
	s0 =	simm.s32 @!p2 $0x0  }
0x16: {  	s3 =	sld [smem:$0x3FDB];
	s0 =	simm.s32 @p2 $0x1  }
0x17: {  	s4 =	simm.s32 $0x1BF5;
	[smem:$0x3FB3] =	sst s0  }
0x18: {  	s0 =	sld [smem:$0x3F96];
	_ =	swait.ge [sflag:s4], $0x0  }
0x19: {  	s7 =	sld [smem:$0x3F97]  }
0x1a: {  	s8 =	sadd.s32 $0xFFFFE003, lr  }
0x1b: {  	s9 =	sadd.s32 $0xFFFFFEF7, lr;
	s5 =	simm.s32 $0xFFFFFFFF;
	p2 =	slt.u32 s8, $0xFFFFF086  }
0x1c: {  	p1 =	slt.u32 s9, $0xF7A;
	s5 =	simm.s32 @!p2 $0x0  }
0x1d: {  	s5 =	simm.s32 @p1 $0x1;
	p0 =	seq.s32 s7, s2  }
0x1e: {  	s7 =	smul.u32 @!p0 $0xF7A, s2;
	p2 =	seq.s32 @!p0 s5, $0x0  }
0x1f: {  	s9 =	smul.u32 $0xF7A, s1;
	s8 =	simm.s32 @!p0 $0x1BF5;
	p2 =	por !p2, p0  }
0x20: {  	[sflag:s8] =	ssyncset.s32 @!p0 $0xFFFFF086;
	s6 =	sadd.s32 @!p0 s3, s7;
	s7 =	simm.s32 @!p0 $0x108  }
0x21: {  	s3 =	sadd.s32 s3, s9;
	s6 =	sadd.s32 @!p0 $0x88, s6;
	s7 =	simm.s32 @p2 $0x1082  }
0x22: {  	[simem:s7], [sflag:s8] =	dma.local @!p0 [hbm:s6], $0xF7A  }
0x23: {  	s9 =	sor.u32 $0xD0000000, s2;
	s6 =	simm.s32 $0x108;
	_ =	swait.ge @!p0 [sflag:s8], $0x0  }
0x24: {  	s3 =	sadd.s32 $0x88, s3;
	s6 =	simm.s32 @!p1 $0x1082;
	[sflag:s4] =	ssyncset.s32 $0xFFFFF086  }
0x25: {  	[simem:s6], [sflag:s4] =	dma.local [hbm:s3], $0xF7A  }
0x26: {  	[smem:$0x3F97] =	sst s1;
	(tag) =	ssettag s2;
	_ =	strace s9  }
0x27: {  	s1 =	sld [smem:$0x3FA7]  }
0x28: {  	s2 =	sld [smem:$0x3FA8]  }
0x29: {  	s4 =	sld [smem:$0x3FAA]  }
0x2a: {  	p0 =	seq.s32 s5, $0x0;
	s5 =	sld [smem:$0x3FAB]  }
0x2b: {  	s6 =	sld [smem:$0x3FAC]  }
0x2c: {  	s7 =	sld [smem:$0x3FAD]  }
0x2d: {  	s3 =	simm.s32 $0x108;
	s8 =	sld [smem:$0x3FAE]  }
0x2e: {  	s3 =	simm.s32 @!p0 $0x1082;
	s9 =	sld [smem:$0x3FAF]  }
0x2f: {  	lr =	sadd.s32 s0, s3;
	s0 =	sld [smem:$0x3FA6]  }
0x30: {  	s3 =	sld [smem:$0x3FA9]  }
0x31: {  	[smem:$0x3FB2] =	sst s10  }
0x32: {  	s10 =	sld [smem:$0x3FB0];
	_ =	sdelay $0x3  }
0x33: {  	p0 =	seq.s32 s10, $0x1;
	s10 =	sld [smem:$0x3FB2];
	_ =	sdelay $0x3  }
0x34: {  	[smem:$0x3FB2] =	sst s10  }
0x35: {  	s10 =	sld [smem:$0x3FB1];
	_ =	sdelay $0x3  }
0x36: {  	p1 =	seq.s32 s10, $0x1;
	s10 =	sld [smem:$0x3FB2];
	_ =	sdelay $0x3  }
0x37: {  	[smem:$0x3FB2] =	sst s10  }
0x38: {  	s10 =	sld [smem:$0x3FB3]  }
0x39: {  	_ = 	snop;
	(pc) =	sbr.ind lr, $3  }
0x3a: {  	_ = 	snop  }
0x3b: {  	_ = 	snop  }
0x3c: {  	p2 =	seq.s32 s10, $0x1;
	s10 =	sld [smem:$0x3FB2]  }
0x3d: {  	_ =	shalt  }
0x3e: {  	_ =	shalt  }
0x3f: {  	_ =	shalt  }
0x40: {  	_ =	shalt  }
0x41: {  	_ =	shalt  }
0x42: {  	_ =	shalt  }
0x43: {  	_ =	shalt  }
0x44: {  	_ =	shalt  }
0x45: {  	_ =	shalt  }
0x46: {  	_ =	shalt  }
0x47: {  	_ =	shalt  }
0x48: {  	_ =	shalt  }
0x49: {  	_ =	shalt  }
0x4a: {  	_ =	shalt  }
0x4b: {  	_ =	shalt  }
0x4c: {  	_ =	shalt  }
0x4d: {  	_ =	shalt  }
0x4e: {  	_ =	shalt  }
0x4f: {  	_ =	shalt  }
0x50: {  	_ =	shalt  }
0x51: {  	_ =	shalt  }
0x52: {  	_ =	shalt  }
0x53: {  	_ =	shalt  }
0x54: {  	_ =	shalt  }
0x55: {  	_ =	shalt  }
0x56: {  	_ =	shalt  }
0x57: {  	_ =	shalt  }
0x58: {  	_ =	shalt  }
0x59: {  	_ =	shalt  }
0x5a: {  	_ =	shalt  }
0x5b: {  	_ =	shalt  }
0x5c: {  	_ =	shalt  }
0x5d: {  	_ =	shalt  }
0x5e: {  	_ =	shalt  }
0x5f: {  	_ =	shalt  }
0x60: {  	_ =	shalt  }
0x61: {  	_ =	shalt  }
0x62: {  	_ =	shalt  }
0x63: {  	_ =	shalt  }
0x64: {  	_ =	shalt  }
0x65: {  	_ =	shalt  }
0x66: {  	_ =	shalt  }
0x67: {  	_ =	shalt  }
0x68: {  	_ =	shalt  }
0x69: {  	_ =	shalt  }
0x6a: {  	_ =	shalt  }
0x6b: {  	_ =	shalt  }
0x6c: {  	_ =	shalt  }
0x6d: {  	_ =	shalt  }
0x6e: {  	_ =	shalt  }
0x6f: {  	_ =	shalt  }
0x70: {  	_ =	shalt  }
0x71: {  	_ =	shalt  }
0x72: {  	_ =	shalt  }
0x73: {  	_ =	shalt  }
0x74: {  	_ =	shalt  }
0x75: {  	_ =	shalt  }
0x76: {  	_ =	shalt  }
0x77: {  	_ =	shalt  }
0x78: {  	_ =	shalt  }
0x79: {  	_ =	shalt  }
0x7a: {  	_ =	shalt  }
0x7b: {  	_ =	shalt  }
0x7c: {  	_ =	shalt  }
0x7d: {  	_ =	shalt  }
0x7e: {  	_ =	shalt  }
0x7f: {  	_ =	shalt  }
0x80: {  	_ =	shalt  }
0x81: {  	_ =	shalt  }
0x82: {  	_ =	shalt  }
0x83: {  	_ =	shalt  }
0x84: {  	_ =	shalt  }
0x85: {  	_ =	shalt  }
0x86: {  	_ =	shalt  }
0x87: {  	_ =	shalt  }
.Lfunc_end0:
.L_simem_size_0:
called_computation.1_lowered:
.L_overlay_start_0:
0x88: {  	s2 =	sld [smem:$0x3FD9]  }
0x89: {  	s3 =	sld [smem:$0x3FFE];
	_ =	sdelay $0x1  }
0x8a: {  	s1 =	srdreg.scid  }
0x8b: {  	s0 =	sand.u32 $0x1, s1  }
0x8c: {  	s17 =	sshll.u32 s0, $0xA;
	s2 =	sadd.s32 s3, s2  }
0x8d: {  	s2 =	sadd.s32 s2, s17  }
0x8e: {  	[smem:$0x3FBE] =	sst s2  }
0x8f: {  	_ = 	snop  }
0x90: {  	(tm) =	ssettm $0x1  }
0x91: {  	s18 =	sld [smem:$0x3FFB];
	_ =	sdelay $0x3  }
0x92: {  	_ =	strace s18  }
0x93: {  	s2 =	sld [smem:$0x3FFC];
	_ =	sdelay $0x3  }
0x94: {  	_ =	strace s2  }
0x95: {  	s2 =	sld [smem:$0x3FFD];
	_ =	sdelay $0x3  }
0x96: {  	_ =	strace s2  }
0x97: {  	_ =	strace $0x8FFFFFFF  }
0x98: {  	s19 =	sld [smem:$0x3FDB];
	_ =	sdelay $0x1  }
0x99: {  	s20 =	simm.s32 $_scs_section_size  }
0x9a: {  	s4 =	simm.s32 $_size__tile_overlayer_lowered;
	s5 =	simm.s32 $_tile_overlayer_lowered  }
0x9b: {  	s6 =	simm.s32 $0x1BFF;
	s21 =	sshll.u32 s5, $0x1;
	s3 =	sadd.s32 s20, s19  }
0x9c: {  	s22 =	simm.s32 $0x0;
	s4 =	sshll.u32 s4, $0x1;
	s5 =	sadd.s32 s21, s3  }
0x9d: {  	[timem:s22], [sflag:s6] =	dma.local [hbm:s5], s4  }
0x9e: {  	_ =	swait.ge [sflag:s6], s4  }
0x9f: {  	s4 =	ssub.s32 $0x0, s4;
	[sflag:s6] =	ssyncset.done $0x0  }
0xa0: {  	[sflag:s6] =	ssyncadd.s32 s4;
	_ =	sdelay $0x1  }
0xa1: {  	s23 =	simm.s32 $0x1B8B  }
0xa2: {  	_ =	swait.ge [sflag:s23], $0x1  }
0xa3: {  	[sflag:s23] =	ssyncset.done $0x0  }
0xa4: {  	[sflag:s23] =	ssyncadd.s32 $0xFFFFFFFF  }
0xa5: {  	s4 =	sld [smem:$0x0]  }
0xa6: {  	s5 =	sand.u32 $0xFFFFFFFE, s1  }
0xa7: {  	p0 =	sne.s32 s1, s5  }
0xa8: {  	s5 =	sshll.u32 @p0 s5, $0xE  }
0xa9: {  	s5 =	sadd.s32 @p0 $0x11B8D, s5;
	s6 =	sshll.u32 @p0 s4, $0x11  }
0xaa: {  	s5 =	sor.u32 @p0 s6, s5  }
0xab: {  	[sflag:s5] =	ssyncadd.remote.s32 @p0 $0x1;
	_ =	sdelay $0x1  }
0xac: {  	s5 =	simm.s32 @p0 $0x1B8D  }
0xad: {  	_ =	swait.eq @p0 [sflag:s5], $0x1  }
0xae: {  	[sflag:s5] =	ssyncadd.s32 @p0 $0xFFFFFFFF  }
0xaf: {  	s6 =	sshll.u32 @!p0 s1, $0xE  }
0xb0: {  	s6 =	sor.u32 @!p0 $0x4000, s6;
	s5 =	simm.s32 @!p0 $0x1B8D  }
0xb1: {  	s4 =	sshll.u32 @!p0 s4, $0x11;
	s6 =	sadd.s32 @!p0 $0x11B8D, s6;
	_ =	swait.eq @!p0 [sflag:s5], $0x1  }
0xb2: {  	s4 =	sor.u32 @!p0 s4, s6;
	[sflag:s5] =	ssyncadd.s32 @!p0 $0xFFFFFFFF  }
0xb3: {  	s25 =	simm.s32 $0x1B8E;
	s24 =	sld [smem:$0x3FFE];
	[sflag:s4] =	ssyncadd.remote.s32 @!p0 $0x1  }
0xb4: {  	s26 =	simm.s32 $execute0_lowered;
	[smem:$0x3FD2] =	sst s25  }
0xb5: {  	s5 =	sshll.u32 s26, $0x1;
	_ =	strace $0x80000049;
	[dreg:$0x1] =	wrdreg $0xFFFFFFFF  }
0xb6: {  	s28 =	simm.s32 $_size_execute0_lowered;
	s3 =	sadd.s32 s3, s5;
	[dreg:$0x0] =	wrdreg $0x0  }
0xb7: {  	s5 =	sshll.u32 s28, $0x1;
	[dreg:$0x2] =	wrdreg s3  }
0xb8: {  	[dreg:$0x3] =	wrdreg s5  }
0xb9: {  	[dreg:$0x4] =	wrdreg $0xC0  }
0xba: {  	_ =	task [dreg:s22], $0x5FFFF  }
0xbb: {  	[dreg:$0x1] =	wrdreg $0xFFFFFFFF  }
0xbc: {  	[dreg:$0x0] =	wrdreg $0x60  }
0xbd: {  	[dreg:$0x2] =	wrdreg s24  }
0xbe: {  	[dreg:$0x3] =	wrdreg $0xA  }
0xbf: {  	_ =	task.clear_ibuf [dreg:s22], $0x4FFFF;
	_ =	strace $0x90000049  }
0xc0: {  	s29 =	simm.s32 $0xA;
	_ =	strace $0x8000004B  }
0xc1: {  	_ =	swait.ge [sflag:s29], $0x1  }
0xc2: {  	[sflag:s29] =	ssyncadd.s32 $0xFFFFFFFF  }
0xc3: {  	_ =	strace $0x9000004B  }
0xc4: {  	_ =	sfence  }
0xc5: {  	s30 =	sld [smem:$0x0];
	_ =	sdelay $0x2  }
0xc6: {  	s31 =	sshll.u32 s1, $0xD;
	s1 =	sshrl.u32 s1, $0x2  }
0xc7: {  	s4 =	sand.u32 $0x4000, s31;
	s1 =	sadd.s32 s1, s30  }
0xc8: {  	s0 =	sor.u32 s4, s0;
	s1 =	sshll.u32 s1, $0x11  }
0xc9: {  	s0 =	sor.u32 s1, s0  }
0xca: {  	s0 =	sadd.s32 $0x8F2B, s0  }
0xcb: {  	[sflag:s0] =	ssyncadd.remote.s32 $0x1  }
0xcc: {  	_ =	sfence.sel $0xFFFF  }
0xcd: {  	[dreg:$0x0] =	wrdreg $0xFFFFFFFF;
	(pc) =	sbr.abs _section_cstart, $3  }
0xce: {  	[dreg:$0x1] =	wrdreg $0xFFFFFFFF  }
0xcf: {  	_ =	task.clear_ibuf [dreg:s22], $0x2FFFF;
	_ =	strace $0x9FFFFFFF  }
0xd0: {  	(tm) =	ssettm $0x7FFFFFFF  }
0xd1: {  	_ =	shalt  }
tec
execute0_lowered:
.L_overlay_start_1:
0x0: {  	(tag) =	ssettag $0x1  }
0x1: {  	s1 =	srdreg.scid  }
0x2: {  	s0 =	stileid.u32;
	s9 =	rddreg [dreg:$0x0];
	s14 =	simm.s32 $0xA80  }
0x3: {  	s15 =	simm.s32 $0x1500;
	s16 =	simm.s32 $0x1F80;
	s17 =	simm.s32 $0x2000  }
0x4: {  	s18 =	simm.s32 $0x4780;
	s19 =	simm.s32 $0x80;
	s20 =	simm.s32 $0x400  }
0x5: {  	s21 =	simm.s32 $0x0;
	s3 =	sand.u32 $0x1, s1;
	s2 =	sshll.u32 s0, $0x1  }
0x6: {  	s1 =	rddreg [dreg:$0x1];
	s5 =	sshrl.u32 s0, $0x2;
	s8 =	sadd.s32 $0x8C10, s9  }
0x7: {  	s13 =	sor.u32 s3, s2;
	s2 =	simm.s32 $0x0;
	s5 =	smul.u32 $0x13C00, s5  }
0x8: {  	s30 =	ssub.s32 $0x2, s3;
	s3 =	sadd.s32 $0x26800, s9;
	s4 =	smul.u32 $0x9C0, s13  }
0x9: {  	[smem:$0x7FF] =	sst s2;
	s6 =	sshll.u32 s13, $0x7;
	s31 =	sshrl.u32 s30, $0x1  }
0xa: {  	p0 =	sne.s32 s13, $0x0;
	s13 =	simm.s32 $0x1;
	s6 =	sand.u32 $0x380, s6  }
0xb: {  	_ =	strace $0x8000004A;
	s4 =	sshrl.u32 s4, $0x3;
	s29 =	sor.u32 s5, s6  }
0xc: {  	s12 =	ssub.s32 s30, s31;
	s7 =	sadd.s32 s4, s9;
	s4 =	sshrl.u32 s29, $0x3  }
0xd: {  	s12 =	smax.u32 s12, $0x1;
	s11 =	sadd.s32 s4, s9;
	s4 =	sadd.s32 $0x24000, s7  }
0xe: {  	s5 =	sadd.s32 $0x6510, s7;
	s6 =	sadd.s32 $0xB330, s7;
	s7 =	sadd.s32 $0x26700, s9  }
0xf: {  	v0 =	vimm.f32 $-1.000000020e+30;
	v1 =	vimm.s32 $0x0;
	v2 =	vimm.f32 $0.0e+00;
	s9 =	sadd.s32 $0xDA30, s9;
	s10 =	sadd.s32 $0x26A00, s11;
	s11 =	sadd.s32 $0x30800, s11  }
.LBB2_1:
0x10: {  	[tilespmem:$0x9C0] =	vst v0  }
0x11: {  	[tilespmem:$0x1440] =	vst v1  }
0x12: {  	[tilespmem:$0x1EC0] =	vst v1  }
0x13: {  	[tilespmem:$0x9D0] =	vst v0  }
0x14: {  	[tilespmem:$0x1450] =	vst v1  }
0x15: {  	[tilespmem:$0x1ED0] =	vst v1  }
0x16: {  	[tilespmem:$0x9E0] =	vst v0  }
0x17: {  	[tilespmem:$0x1460] =	vst v1  }
0x18: {  	[tilespmem:$0x1EE0] =	vst v1  }
0x19: {  	[tilespmem:$0x9F0] =	vst v0  }
0x1a: {  	[tilespmem:$0x1470] =	vst v1  }
0x1b: {  	[tilespmem:$0x1EF0] =	vst v1  }
0x1c: {  	[tilespmem:$0xA00] =	vst v0  }
0x1d: {  	[tilespmem:$0x1480] =	vst v1  }
0x1e: {  	[tilespmem:$0x1F00] =	vst v1  }
0x1f: {  	[tilespmem:$0xA10] =	vst v0  }
0x20: {  	[tilespmem:$0x1490] =	vst v1  }
0x21: {  	[tilespmem:$0x1F10] =	vst v1  }
0x22: {  	[tilespmem:$0xA20] =	vst v0  }
0x23: {  	[tilespmem:$0x14A0] =	vst v1  }
0x24: {  	[tilespmem:$0x1F20] =	vst v1  }
0x25: {  	[tilespmem:$0xA30] =	vst v0  }
0x26: {  	[tilespmem:$0x14B0] =	vst v1  }
0x27: {  	[tilespmem:$0x1F30] =	vst v1  }
0x28: {  	[tilespmem:s2], [sflag:$0x1] =	stream.linear.gather [hbm4b:s4+s2], $0x9C0, $0x38;
	[tilespmem:$0x6F00] =	vst v63  }
0x29: {  	_ =	swait.ge [sflag:s13], $0x9C0  }
0x2a: {  	[sflag:s13] =	ssyncset.done $0x0  }
0x2b: {  	[sflag:s13] =	ssyncadd.s32 $0xFFFFF640  }
0x2c: {  	[tilespmem:s14], [sflag:$0x1] =	stream.linear.gather [hbm4b:s5+s2], $0x9C0, $0x38;
	[tilespmem:$0x6F00] =	vst v63  }
0x2d: {  	_ =	swait.ge [sflag:s13], $0x9C0  }
0x2e: {  	[sflag:s13] =	ssyncset.done $0x0  }
0x2f: {  	[sflag:s13] =	ssyncadd.s32 $0xFFFFF640  }
0x30: {  	[tilespmem:s15], [sflag:$0x1] =	stream.linear.gather [hbm4b:s6+s2], $0x9C0, $0x38;
	[tilespmem:$0x6F00] =	vst v63  }
0x31: {  	_ =	swait.ge [sflag:s13], $0x9C0  }
0x32: {  	[sflag:s13] =	ssyncset.done $0x0  }
0x33: {  	[sflag:s13] =	ssyncadd.s32 $0xFFFFF640  }
0x34: {  	[tilespmem:s16], [sflag:$0x1] =	stream.linear.gather [hbm4b:s3+s2], $0x80, $0x38;
	[tilespmem:$0x6F00] =	vst v63  }
0x35: {  	_ =	swait.ge [sflag:s13], $0x80  }
0x36: {  	[sflag:s13] =	ssyncset.done $0x0  }
0x37: {  	s22 =	simm.s32 @!p0 $0x0;
	s23 =	simm.s32 @!p0 $0x9C0;
	[sflag:s13] =	ssyncadd.s32 $0xFFFFFF80  }
0x38: {  	[tilespmem:s23], [sflag:$0x1] =	stream.linear.gather @!p0 [hbm4b:s7+s22], $0x80, $0x38;
	[tilespmem:$0x6F00] =	vst v63  }
0x39: {  	s23 =	simm.s32 @!p0 $0x1  }
0x3a: {  	_ =	swait.ge @!p0 [sflag:s23], $0x80  }
0x3b: {  	[sflag:s23] =	ssyncset.done @!p0 $0x0  }
0x3c: {  	s24 =	simm.s32 @!p0 $0x1440;
	[sflag:s23] =	ssyncadd.s32 @!p0 $0xFFFFFF80  }
0x3d: {  	[tilespmem:s24], [sflag:$0x1] =	stream.linear.gather @!p0 [hbm4b:s8+s22], $0x80, $0x38;
	[tilespmem:$0x6F00] =	vst v63  }
0x3e: {  	_ =	swait.ge @!p0 [sflag:s23], $0x80  }
0x3f: {  	[sflag:s23] =	ssyncset.done @!p0 $0x0  }
0x40: {  	s24 =	simm.s32 @!p0 $0x1EC0;
	[sflag:s23] =	ssyncadd.s32 @!p0 $0xFFFFFF80  }
0x41: {  	[tilespmem:s24], [sflag:$0x1] =	stream.linear.gather @!p0 [hbm4b:s9+s22], $0x80, $0x38;
	[tilespmem:$0x6F00] =	vst v63  }
0x42: {  	_ =	swait.ge @!p0 [sflag:s23], $0x80  }
0x43: {  	[sflag:s23] =	ssyncset.done @!p0 $0x0  }
0x44: {  	s22 =	simm.s32 $0x40;
	[sflag:s23] =	ssyncadd.s32 @!p0 $0xFFFFFF80;
	s23 =	simm.s32 $0x0  }
.LBB2_2:
0x45: {  	p1 =	sne.s32 s22, $0x9C00;
	[tilespmem:s23+$0x2000] =	vst v2;
	s24 =	smov.u32 s22;
	s22 =	sadd.s32 $0x40, s22  }
.Ltmp0:
0x46: {  	[tilespmem:s23+$0x4780] =	vst v2;
	(pc) =	sbr.rel @p1 .LBB2_2-.Ltmp0, $2  }
0x47: {  	_ =	sdelay $0x2  }
0x48: {  	s23 =	sshra.s32 s24, $0x2  }
0x49: {  	[tilespmem:s23+$0x2000] =	vst v2  }
0x4a: {  	[tilespmem:s23+$0x4780] =	vst v2  }
0x4b: {  	s23 =	simm.s32 $0x0;
	s22 =	simm.s32 $0x40;
	v3 =	vld [tilespmem:$0x1F80]  }
.LBB2_4:
0x4c: {  	p1 =	sne.s32 s22, $0x28C0;
	v4 =	vld [tilespmem:s23+$0x0];
	_ =	sdelay $0x4  }
0x4d: {  	v4 =	vsub.f32 v4, v3;
	_ =	sdelay $0x1  }
0x4e: {  	v4 =	vmul.f32 $1.442695020e+00, v4;
	_ =	sdelay $0x1  }
0x4f: {  	(erf) = vpow2.f32 v4;
	_ =	sdelay $0x1  }
0x50: {  	v4 =	vld [tilespmem:s23+$0x1500]  }
0x51: {  	v5 =	vld [tilespmem:s23+$0xA80];
	_ =	sdelay $0x3  }
.Ltmp1:
0x52: {  	(pc) =	sbr.rel @p1 .LBB2_4-.Ltmp1, $4  }
0x53: {  	_ = 	snop  }
0x54: {  	vm0 =	veq.s32 v4, $0x0;
	v6 =	vpop (erf)  }
0x55: {  	[tilespmem:v4+s17+$0x0] =	vst.idx.add.f32.msk $0xffff, v6;
	v4 =	vnsel vm0, $0x0, v6  }
0x56: {  	s23 =	sshra.s32 s22, $0x2;
	s22 =	sadd.s32 $0x40, s22;
	[tilespmem:v5+s18+$0x0] =	vst.idx.add.f32.msk $0xffff, v4  }
0x57: {  	v4 =	vld [tilespmem:s23+$0x0];
	_ =	sdelay $0x4  }
0x58: {  	v3 =	vsub.f32 v4, v3;
	_ =	sdelay $0x1  }
0x59: {  	v3 =	vmul.f32 $1.442695020e+00, v3;
	_ =	sdelay $0x1  }
0x5a: {  	(erf) = vpow2.f32 v3;
	_ =	sdelay $0x1  }
0x5b: {  	v3 =	vld [tilespmem:s23+$0x1500]  }
0x5c: {  	v63 =	vld [tilespmem:s23+$0xA80];
	_ =	sdelay $0x5  }
0x5d: {  	vm0 =	veq.s32 v3, $0x0;
	v5 =	vpop (erf)  }
0x5e: {  	[tilespmem:v3+s17+$0x0] =	vst.idx.add.f32.msk $0xffff, v5;
	v3 =	vnsel vm0, $0x0, v5  }
0x5f: {  	[tilespmem:v63+s18+$0x0] =	vst.idx.add.f32.msk $0xffff, v3  }
0x60: {  	[hbm4b:s10+s19] =	stream.strided.scatter [tilespmem:s17], [sflag:$0x1], $0x2780, s20, s19, $0x38;
	[tilespmem:$0x6F00] =	vst v63  }
0x61: {  	s21 =	sadd.s32 $0x1, s21;
	_ =	swait.ge [sflag:s13], $0x2780  }
0x62: {  	p1 =	sne.s32 s21, s12;
	[sflag:s13] =	ssyncset.done $0x0  }
.Ltmp2:
0x63: {  	[sflag:s13] =	ssyncadd.s32 $0xFFFFD880;
	(pc) =	sbr.rel @p1 .LBB2_1-.Ltmp2, $4  }
0x64: {  	[hbm4b:s11+s19] =	stream.strided.scatter [tilespmem:s18], [sflag:$0x1], $0x2780, s20, s19, $0x38;
	[tilespmem:$0x6F00] =	vst v63  }
0x65: {  	_ =	swait.ge [sflag:s13], $0x2780  }
0x66: {  	[sflag:s13] =	ssyncset.done $0x0  }
0x67: {  	[sflag:s13] =	ssyncadd.s32 $0xFFFFD880  }
0x68: {  	_ =	sfence.sel $0x180000  }
0x69: {  	[bflag:$0x0] =	sbarrier.arrive $0xFFFF  }
0x6a: {  	p0 =	sne.s32 s0, $0x0;
	_ =	strace $0x9000004A  }
0x6b: {  	s0 =	sadd.s32 @!p0 $0x100000, s1;
	[bflag:$0x2] =	sbarrier.arrive $0xFFFF  }
0x6c: {  	[sflag:s0] =	ssyncadd.tile.s32 @!p0 $0x1;
	_ =	shalt  }
.Lfunc_end2:
_tile_overlayer_lowered:
.L_overlay_start_2:
0x6d: {  	(tag) =	ssettag $0x2  }
0x6e: {  	s0 =	rddreg [dreg:$0x0];
	s2 =	stileid.u32  }
0x6f: {  	s1 =	rddreg [dreg:$0x1];
	p0 =	sne.s32 s2, $0x0  }
0x70: {  	s3 =	rddreg [dreg:$0x2];
	[bflag:$0x3] =	sbarrier.arrive $0xFFFF;
	s2 =	simm.s32 @!p0 $0x1C01  }
0x71: {  	[timem:s3], [sflag:s2] =	dma.local @!p0 [hbm:s0], s1  }
0x72: {  	s0 =	simm.s32 @!p0 $0x1  }
0x73: {  	_ =	swait.ge @!p0 [sflag:s0], s1  }
0x74: {  	s1 =	ssub.s32 @!p0 $0x0, s1;
	[sflag:s0] =	ssyncset.done @!p0 $0x0  }
0x75: {  	[sflag:s0] =	ssyncadd.s32 @!p0 s1  }
0x76: {  	[bflag:$0x3] =	sbarrier.arrive $0xFFFF  }
0x77: {  	_ =	shalt  }

// kernel: kernel.7.cloned.1.call-start
scs
__scs_entry_jumppad:
0x0: {  	(pc) =	sbr.rel $0x88, $3  }
0x1: {  	(tag) =	ssettag $0x0;
	lr =	simm.s32 $0x1  }
0x2: {  	[smem:$0x3F97] =	sst lr;
	_ =	strace $0xD0000000  }
0x3: {  	_ = 	snop  }
0x4: {  	_ = 	snop  }
0x5: {  	_ = 	snop  }
0x6: {  	_ = 	snop  }
0x7: {  	_ = 	snop  }
__scs_overlays_trampoline_lowered:
0x8: {  	[smem:$0x3FA6] =	sst s0  }
0x9: {  	[smem:$0x3FA7] =	sst s1  }
0xa: {  	[smem:$0x3FA8] =	sst s2  }
0xb: {  	[smem:$0x3FA9] =	sst s3  }
0xc: {  	[smem:$0x3FAA] =	sst s4  }
0xd: {  	[smem:$0x3FAB] =	sst s5  }
0xe: {  	[smem:$0x3FAC] =	sst s6  }
0xf: {  	[smem:$0x3FAD] =	sst s7  }
0x10: {  	[smem:$0x3FAE] =	sst s8  }
0x11: {  	[smem:$0x3FAF] =	sst s9;
	s0 =	simm.s32 @!p0 $0x0  }
0x12: {  	s1 =	sld [smem:$0x3F95];
	s0 =	simm.s32 @p0 $0x1  }
0x13: {  	[smem:$0x3FB0] =	sst s0;
	s0 =	simm.s32 @!p1 $0x0  }
0x14: {  	s2 =	sld [smem:$0x3F94];
	s0 =	simm.s32 @p1 $0x1  }
0x15: {  	[smem:$0x3FB1] =	sst s0;
	s0 =	simm.s32 @!p2 $0x0  }
0x16: {  	s3 =	sld [smem:$0x3FDB];
	s0 =	simm.s32 @p2 $0x1  }
0x17: {  	s4 =	simm.s32 $0x1BF5;
	[smem:$0x3FB3] =	sst s0  }
0x18: {  	s0 =	sld [smem:$0x3F96];
	_ =	swait.ge [sflag:s4], $0x0  }
0x19: {  	s7 =	sld [smem:$0x3F97]  }
0x1a: {  	s8 =	sadd.s32 $0xFFFFE003, lr  }
0x1b: {  	s9 =	sadd.s32 $0xFFFFFEF7, lr;
	s5 =	simm.s32 $0xFFFFFFFF;
	p2 =	slt.u32 s8, $0xFFFFF086  }
0x1c: {  	p1 =	slt.u32 s9, $0xF7A;
	s5 =	simm.s32 @!p2 $0x0  }
0x1d: {  	s5 =	simm.s32 @p1 $0x1;
	p0 =	seq.s32 s7, s2  }
0x1e: {  	s7 =	smul.u32 @!p0 $0xF7A, s2;
	p2 =	seq.s32 @!p0 s5, $0x0  }
0x1f: {  	s9 =	smul.u32 $0xF7A, s1;
	s8 =	simm.s32 @!p0 $0x1BF5;
	p2 =	por !p2, p0  }
0x20: {  	[sflag:s8] =	ssyncset.s32 @!p0 $0xFFFFF086;
	s6 =	sadd.s32 @!p0 s3, s7;
	s7 =	simm.s32 @!p0 $0x108  }
0x21: {  	s3 =	sadd.s32 s3, s9;
	s6 =	sadd.s32 @!p0 $0x88, s6;
	s7 =	simm.s32 @p2 $0x1082  }
0x22: {  	[simem:s7], [sflag:s8] =	dma.local @!p0 [hbm:s6], $0xF7A  }
0x23: {  	s9 =	sor.u32 $0xD0000000, s2;
	s6 =	simm.s32 $0x108;
	_ =	swait.ge @!p0 [sflag:s8], $0x0  }
0x24: {  	s3 =	sadd.s32 $0x88, s3;
	s6 =	simm.s32 @!p1 $0x1082;
	[sflag:s4] =	ssyncset.s32 $0xFFFFF086  }
0x25: {  	[simem:s6], [sflag:s4] =	dma.local [hbm:s3], $0xF7A  }
0x26: {  	[smem:$0x3F97] =	sst s1;
	(tag) =	ssettag s2;
	_ =	strace s9  }
0x27: {  	s1 =	sld [smem:$0x3FA7]  }
0x28: {  	s2 =	sld [smem:$0x3FA8]  }
0x29: {  	s4 =	sld [smem:$0x3FAA]  }
0x2a: {  	p0 =	seq.s32 s5, $0x0;
	s5 =	sld [smem:$0x3FAB]  }
0x2b: {  	s6 =	sld [smem:$0x3FAC]  }
0x2c: {  	s7 =	sld [smem:$0x3FAD]  }
0x2d: {  	s3 =	simm.s32 $0x108;
	s8 =	sld [smem:$0x3FAE]  }
0x2e: {  	s3 =	simm.s32 @!p0 $0x1082;
	s9 =	sld [smem:$0x3FAF]  }
0x2f: {  	lr =	sadd.s32 s0, s3;
	s0 =	sld [smem:$0x3FA6]  }
0x30: {  	s3 =	sld [smem:$0x3FA9]  }
0x31: {  	[smem:$0x3FB2] =	sst s10  }
0x32: {  	s10 =	sld [smem:$0x3FB0];
	_ =	sdelay $0x3  }
0x33: {  	p0 =	seq.s32 s10, $0x1;
	s10 =	sld [smem:$0x3FB2];
	_ =	sdelay $0x3  }
0x34: {  	[smem:$0x3FB2] =	sst s10  }
0x35: {  	s10 =	sld [smem:$0x3FB1];
	_ =	sdelay $0x3  }
0x36: {  	p1 =	seq.s32 s10, $0x1;
	s10 =	sld [smem:$0x3FB2];
	_ =	sdelay $0x3  }
0x37: {  	[smem:$0x3FB2] =	sst s10  }
0x38: {  	s10 =	sld [smem:$0x3FB3]  }
0x39: {  	_ = 	snop;
	(pc) =	sbr.ind lr, $3  }
0x3a: {  	_ = 	snop  }
0x3b: {  	_ = 	snop  }
0x3c: {  	p2 =	seq.s32 s10, $0x1;
	s10 =	sld [smem:$0x3FB2]  }
0x3d: {  	_ =	shalt  }
0x3e: {  	_ =	shalt  }
0x3f: {  	_ =	shalt  }
0x40: {  	_ =	shalt  }
0x41: {  	_ =	shalt  }
0x42: {  	_ =	shalt  }
0x43: {  	_ =	shalt  }
0x44: {  	_ =	shalt  }
0x45: {  	_ =	shalt  }
0x46: {  	_ =	shalt  }
0x47: {  	_ =	shalt  }
0x48: {  	_ =	shalt  }
0x49: {  	_ =	shalt  }
0x4a: {  	_ =	shalt  }
0x4b: {  	_ =	shalt  }
0x4c: {  	_ =	shalt  }
0x4d: {  	_ =	shalt  }
0x4e: {  	_ =	shalt  }
0x4f: {  	_ =	shalt  }
0x50: {  	_ =	shalt  }
0x51: {  	_ =	shalt  }
0x52: {  	_ =	shalt  }
0x53: {  	_ =	shalt  }
0x54: {  	_ =	shalt  }
0x55: {  	_ =	shalt  }
0x56: {  	_ =	shalt  }
0x57: {  	_ =	shalt  }
0x58: {  	_ =	shalt  }
0x59: {  	_ =	shalt  }
0x5a: {  	_ =	shalt  }
0x5b: {  	_ =	shalt  }
0x5c: {  	_ =	shalt  }
0x5d: {  	_ =	shalt  }
0x5e: {  	_ =	shalt  }
0x5f: {  	_ =	shalt  }
0x60: {  	_ =	shalt  }
0x61: {  	_ =	shalt  }
0x62: {  	_ =	shalt  }
0x63: {  	_ =	shalt  }
0x64: {  	_ =	shalt  }
0x65: {  	_ =	shalt  }
0x66: {  	_ =	shalt  }
0x67: {  	_ =	shalt  }
0x68: {  	_ =	shalt  }
0x69: {  	_ =	shalt  }
0x6a: {  	_ =	shalt  }
0x6b: {  	_ =	shalt  }
0x6c: {  	_ =	shalt  }
0x6d: {  	_ =	shalt  }
0x6e: {  	_ =	shalt  }
0x6f: {  	_ =	shalt  }
0x70: {  	_ =	shalt  }
0x71: {  	_ =	shalt  }
0x72: {  	_ =	shalt  }
0x73: {  	_ =	shalt  }
0x74: {  	_ =	shalt  }
0x75: {  	_ =	shalt  }
0x76: {  	_ =	shalt  }
0x77: {  	_ =	shalt  }
0x78: {  	_ =	shalt  }
0x79: {  	_ =	shalt  }
0x7a: {  	_ =	shalt  }
0x7b: {  	_ =	shalt  }
0x7c: {  	_ =	shalt  }
0x7d: {  	_ =	shalt  }
0x7e: {  	_ =	shalt  }
0x7f: {  	_ =	shalt  }
0x80: {  	_ =	shalt  }
0x81: {  	_ =	shalt  }
0x82: {  	_ =	shalt  }
0x83: {  	_ =	shalt  }
0x84: {  	_ =	shalt  }
0x85: {  	_ =	shalt  }
0x86: {  	_ =	shalt  }
0x87: {  	_ =	shalt  }
.Lfunc_end0:
.L_simem_size_0:
called_computation_lowered:
.L_overlay_start_0:
0x88: {  	s2 =	sld [smem:$0x3FD9]  }
0x89: {  	s3 =	sld [smem:$0x3FFE];
	_ =	sdelay $0x1  }
0x8a: {  	s1 =	srdreg.scid  }
0x8b: {  	s0 =	sand.u32 $0x1, s1  }
0x8c: {  	s17 =	sshll.u32 s0, $0xA;
	s2 =	sadd.s32 s3, s2  }
0x8d: {  	s2 =	sadd.s32 s2, s17  }
0x8e: {  	[smem:$0x3FBE] =	sst s2  }
0x8f: {  	_ = 	snop  }
0x90: {  	s2 =	sld [smem:$0x3FD0];
	(tm) =	ssettm $0x1  }
0x91: {  	s18 =	sld [smem:$0x3FFB];
	_ =	sdelay $0x3  }
0x92: {  	_ =	strace s18  }
0x93: {  	s3 =	sld [smem:$0x3FFC];
	_ =	sdelay $0x3  }
0x94: {  	_ =	strace s3  }
0x95: {  	s3 =	sld [smem:$0x3FFD];
	_ =	sdelay $0x3  }
0x96: {  	_ =	strace s3  }
0x97: {  	_ =	strace $0x8FFFFFFF  }
0x98: {  	s19 =	sld [smem:$0x3FDB];
	_ =	sdelay $0x1  }
0x99: {  	s4 =	simm.s32 $_scs_section_size  }
0x9a: {  	s5 =	simm.s32 $_size__tile_overlayer_lowered;
	s6 =	simm.s32 $_tile_overlayer_lowered  }
0x9b: {  	s22 =	simm.s32 $0x1BFF;
	s21 =	sshll.u32 s6, $0x1;
	s3 =	sadd.s32 s4, s19  }
0x9c: {  	s7 =	simm.s32 $0x0;
	s20 =	sshll.u32 s5, $0x1;
	s5 =	sadd.s32 s21, s3  }
0x9d: {  	[timem:s7], [sflag:s22] =	dma.local [hbm:s5], s20  }
0x9e: {  	_ =	swait.ge [sflag:s22], s20  }
0x9f: {  	s4 =	ssub.s32 $0x0, s20;
	[sflag:s22] =	ssyncset.done $0x0  }
0xa0: {  	[sflag:s22] =	ssyncadd.s32 s4;
	_ =	sdelay $0x1  }
0xa1: {  	s23 =	simm.s32 $0x1B8B  }
0xa2: {  	_ =	swait.ge [sflag:s23], $0x1  }
0xa3: {  	[sflag:s23] =	ssyncset.done $0x0  }
0xa4: {  	s25 =	simm.s32 $0x1B8E;
	s24 =	sld [smem:$0x3FFE];
	[sflag:s23] =	ssyncadd.s32 $0xFFFFFFFF  }
0xa5: {  	s26 =	simm.s32 $execute0_lowered;
	[smem:$0x3FD2] =	sst s25  }
0xa6: {  	s5 =	sshll.u32 s26, $0x1;
	_ =	strace $0x80000046;
	[dreg:$0x1] =	wrdreg $0xFFFFFFFF  }
0xa7: {  	s28 =	simm.s32 $_size_execute0_lowered;
	s3 =	sadd.s32 s3, s5;
	[dreg:$0x0] =	wrdreg $0x0  }
0xa8: {  	s5 =	sshll.u32 s28, $0x1;
	[dreg:$0x2] =	wrdreg s3  }
0xa9: {  	[dreg:$0x3] =	wrdreg s5  }
0xaa: {  	[dreg:$0x4] =	wrdreg $0xC0  }
0xab: {  	_ =	task [dreg:s7], $0x5FFFF  }
0xac: {  	[dreg:$0x1] =	wrdreg $0xFFFFFFFF  }
0xad: {  	[dreg:$0x0] =	wrdreg $0x60  }
0xae: {  	[dreg:$0x2] =	wrdreg s24  }
0xaf: {  	[dreg:$0x3] =	wrdreg s2  }
0xb0: {  	[dreg:$0x4] =	wrdreg $0x9  }
0xb1: {  	_ =	task.clear_ibuf [dreg:s7], $0x5FFFF;
	_ =	strace $0x90000046  }
0xb2: {  	s29 =	simm.s32 $0x9;
	_ =	strace $0x80000048  }
0xb3: {  	_ =	swait.ge [sflag:s29], $0x1  }
0xb4: {  	[sflag:s29] =	ssyncadd.s32 $0xFFFFFFFF  }
0xb5: {  	_ =	strace $0x90000048  }
0xb6: {  	_ =	sfence  }
0xb7: {  	s30 =	sld [smem:$0x0];
	_ =	sdelay $0x2  }
0xb8: {  	s31 =	sshll.u32 s1, $0xD;
	s1 =	sshrl.u32 s1, $0x2  }
0xb9: {  	s3 =	sand.u32 $0x4000, s31;
	s1 =	sadd.s32 s1, s30  }
0xba: {  	s0 =	sor.u32 s3, s0;
	s1 =	sshll.u32 s1, $0x11  }
0xbb: {  	s0 =	sor.u32 s1, s0  }
0xbc: {  	s0 =	sadd.s32 $0x8F2B, s0  }
0xbd: {  	[sflag:s0] =	ssyncadd.remote.s32 $0x1  }
0xbe: {  	_ =	sfence.sel $0xFFFF  }
0xbf: {  	[dreg:$0x0] =	wrdreg $0xFFFFFFFF;
	(pc) =	sbr.abs _section_cstart, $3  }
0xc0: {  	[dreg:$0x1] =	wrdreg $0xFFFFFFFF  }
0xc1: {  	_ =	task.clear_ibuf [dreg:s7], $0x2FFFF;
	_ =	strace $0x9FFFFFFF  }
0xc2: {  	(tm) =	ssettm $0x7FFFFFFF  }
0xc3: {  	_ =	shalt  }
tec
execute0_lowered:
.L_overlay_start_1:
0x0: {  	(tag) =	ssettag $0x1  }
0x1: {  	s9 =	rddreg [dreg:$0x0];
	s1 =	srdreg.scid  }
0x2: {  	s0 =	stileid.u32;
	s2 =	rddreg [dreg:$0x1]  }
0x3: {  	s14 =	simm.s32 $0xA80;
	s15 =	simm.s32 $0x1500;
	s16 =	simm.s32 $0x1F80  }
0x4: {  	s17 =	simm.s32 $0x2000;
	s18 =	simm.s32 $0x4780;
	s19 =	simm.s32 $0x80  }
0x5: {  	s20 =	simm.s32 $0x400;
	s21 =	simm.s32 $0x0;
	s4 =	sand.u32 $0x1, s1  }
0x6: {  	s3 =	sshll.u32 s0, $0x1;
	s1 =	rddreg [dreg:$0x2];
	s6 =	sshrl.u32 s0, $0x2  }
0x7: {  	s8 =	sadd.s32 $0x6500, s9;
	s13 =	sor.u32 s4, s3;
	s6 =	smul.u32 $0x13C00, s6  }
0x8: {  	s3 =	simm.s32 $0x0;
	s4 =	ssub.s32 $0x2, s4;
	s5 =	smul.u32 $0x9C0, s13  }
0x9: {  	[smem:$0x7FF] =	sst s3;
	s7 =	sshll.u32 s13, $0x7;
	s31 =	sshrl.u32 s4, $0x1  }
0xa: {  	p0 =	sne.s32 s13, $0x0;
	s13 =	simm.s32 $0x1;
	s7 =	sand.u32 $0x380, s7  }
0xb: {  	_ =	strace $0x80000047;
	s12 =	ssub.s32 s4, s31;
	s6 =	sor.u32 s6, s7  }
0xc: {  	s5 =	sshrl.u32 s5, $0x3;
	s7 =	sadd.s32 $0x10300, s9;
	s30 =	sshrl.u32 s6, $0x3  }
0xd: {  	s12 =	smax.u32 s12, $0x1;
	s29 =	sadd.s32 s5, s9;
	s11 =	sadd.s32 s30, s9  }
0xe: {  	s4 =	sadd.s32 $0xDC00, s29;
	s5 =	sadd.s32 $0x3E00, s29;
	s6 =	sadd.s32 $0x8C20, s29  }
0xf: {  	v0 =	vimm.f32 $-1.000000020e+30;
	v1 =	vimm.s32 $0x0;
	v2 =	vimm.f32 $0.0e+00;
	s9 =	sadd.s32 $0xB320, s9;
	s10 =	sadd.s32 $0x10400, s11;
	s11 =	sadd.s32 $0x1A200, s11  }
.LBB2_1:
0x10: {  	[tilespmem:$0x9C0] =	vst v0  }
0x11: {  	[tilespmem:$0x1440] =	vst v1  }
0x12: {  	[tilespmem:$0x1EC0] =	vst v1  }
0x13: {  	[tilespmem:$0x9D0] =	vst v0  }
0x14: {  	[tilespmem:$0x1450] =	vst v1  }
0x15: {  	[tilespmem:$0x1ED0] =	vst v1  }
0x16: {  	[tilespmem:$0x9E0] =	vst v0  }
0x17: {  	[tilespmem:$0x1460] =	vst v1  }
0x18: {  	[tilespmem:$0x1EE0] =	vst v1  }
0x19: {  	[tilespmem:$0x9F0] =	vst v0  }
0x1a: {  	[tilespmem:$0x1470] =	vst v1  }
0x1b: {  	[tilespmem:$0x1EF0] =	vst v1  }
0x1c: {  	[tilespmem:$0xA00] =	vst v0  }
0x1d: {  	[tilespmem:$0x1480] =	vst v1  }
0x1e: {  	[tilespmem:$0x1F00] =	vst v1  }
0x1f: {  	[tilespmem:$0xA10] =	vst v0  }
0x20: {  	[tilespmem:$0x1490] =	vst v1  }
0x21: {  	[tilespmem:$0x1F10] =	vst v1  }
0x22: {  	[tilespmem:$0xA20] =	vst v0  }
0x23: {  	[tilespmem:$0x14A0] =	vst v1  }
0x24: {  	[tilespmem:$0x1F20] =	vst v1  }
0x25: {  	[tilespmem:$0xA30] =	vst v0  }
0x26: {  	[tilespmem:$0x14B0] =	vst v1  }
0x27: {  	[tilespmem:$0x1F30] =	vst v1  }
0x28: {  	[tilespmem:s3], [sflag:$0x1] =	stream.linear.gather [hbm4b:s4+s3], $0x9C0, $0x38;
	[tilespmem:$0x6F00] =	vst v63  }
0x29: {  	_ =	swait.ge [sflag:s13], $0x9C0  }
0x2a: {  	[sflag:s13] =	ssyncset.done $0x0  }
0x2b: {  	[sflag:s13] =	ssyncadd.s32 $0xFFFFF640  }
0x2c: {  	[tilespmem:s14], [sflag:$0x1] =	stream.linear.gather [hbm4b:s5+s3], $0x9C0, $0x38;
	[tilespmem:$0x6F00] =	vst v63  }
0x2d: {  	_ =	swait.ge [sflag:s13], $0x9C0  }
0x2e: {  	[sflag:s13] =	ssyncset.done $0x0  }
0x2f: {  	[sflag:s13] =	ssyncadd.s32 $0xFFFFF640  }
0x30: {  	[tilespmem:s15], [sflag:$0x1] =	stream.linear.gather [hbm4b:s6+s3], $0x9C0, $0x38;
	[tilespmem:$0x6F00] =	vst v63  }
0x31: {  	_ =	swait.ge [sflag:s13], $0x9C0  }
0x32: {  	[sflag:s13] =	ssyncset.done $0x0  }
0x33: {  	[sflag:s13] =	ssyncadd.s32 $0xFFFFF640  }
0x34: {  	[tilespmem:s16], [sflag:$0x1] =	stream.linear.gather [hbm4b:s2+s3], $0x80, $0x38;
	[tilespmem:$0x6F00] =	vst v63  }
0x35: {  	_ =	swait.ge [sflag:s13], $0x80  }
0x36: {  	[sflag:s13] =	ssyncset.done $0x0  }
0x37: {  	s22 =	simm.s32 @!p0 $0x0;
	s23 =	simm.s32 @!p0 $0x9C0;
	[sflag:s13] =	ssyncadd.s32 $0xFFFFFF80  }
0x38: {  	[tilespmem:s23], [sflag:$0x1] =	stream.linear.gather @!p0 [hbm4b:s7+s22], $0x80, $0x38;
	[tilespmem:$0x6F00] =	vst v63  }
0x39: {  	s23 =	simm.s32 @!p0 $0x1  }
0x3a: {  	_ =	swait.ge @!p0 [sflag:s23], $0x80  }
0x3b: {  	[sflag:s23] =	ssyncset.done @!p0 $0x0  }
0x3c: {  	s24 =	simm.s32 @!p0 $0x1440;
	[sflag:s23] =	ssyncadd.s32 @!p0 $0xFFFFFF80  }
0x3d: {  	[tilespmem:s24], [sflag:$0x1] =	stream.linear.gather @!p0 [hbm4b:s8+s22], $0x80, $0x38;
	[tilespmem:$0x6F00] =	vst v63  }
0x3e: {  	_ =	swait.ge @!p0 [sflag:s23], $0x80  }
0x3f: {  	[sflag:s23] =	ssyncset.done @!p0 $0x0  }
0x40: {  	s24 =	simm.s32 @!p0 $0x1EC0;
	[sflag:s23] =	ssyncadd.s32 @!p0 $0xFFFFFF80  }
0x41: {  	[tilespmem:s24], [sflag:$0x1] =	stream.linear.gather @!p0 [hbm4b:s9+s22], $0x80, $0x38;
	[tilespmem:$0x6F00] =	vst v63  }
0x42: {  	_ =	swait.ge @!p0 [sflag:s23], $0x80  }
0x43: {  	[sflag:s23] =	ssyncset.done @!p0 $0x0  }
0x44: {  	s22 =	simm.s32 $0x40;
	[sflag:s23] =	ssyncadd.s32 @!p0 $0xFFFFFF80;
	s23 =	simm.s32 $0x0  }
.LBB2_2:
0x45: {  	p1 =	sne.s32 s22, $0x9C00;
	[tilespmem:s23+$0x2000] =	vst v2;
	s24 =	smov.u32 s22;
	s22 =	sadd.s32 $0x40, s22  }
.Ltmp0:
0x46: {  	[tilespmem:s23+$0x4780] =	vst v2;
	(pc) =	sbr.rel @p1 .LBB2_2-.Ltmp0, $2  }
0x47: {  	_ =	sdelay $0x2  }
0x48: {  	s23 =	sshra.s32 s24, $0x2  }
0x49: {  	[tilespmem:s23+$0x2000] =	vst v2  }
0x4a: {  	[tilespmem:s23+$0x4780] =	vst v2  }
0x4b: {  	s23 =	simm.s32 $0x0;
	s22 =	simm.s32 $0x40;
	v3 =	vld [tilespmem:$0x1F80]  }
.LBB2_4:
0x4c: {  	p1 =	sne.s32 s22, $0x28C0;
	v4 =	vld [tilespmem:s23+$0x0];
	_ =	sdelay $0x4  }
0x4d: {  	v4 =	vsub.f32 v4, v3;
	_ =	sdelay $0x1  }
0x4e: {  	v4 =	vmul.f32 $1.442695020e+00, v4;
	_ =	sdelay $0x1  }
0x4f: {  	(erf) = vpow2.f32 v4;
	_ =	sdelay $0x1  }
0x50: {  	v4 =	vld [tilespmem:s23+$0x1500]  }
0x51: {  	v5 =	vld [tilespmem:s23+$0xA80];
	_ =	sdelay $0x3  }
.Ltmp1:
0x52: {  	(pc) =	sbr.rel @p1 .LBB2_4-.Ltmp1, $4  }
0x53: {  	_ = 	snop  }
0x54: {  	vm0 =	veq.s32 v4, $0x0;
	v6 =	vpop (erf)  }
0x55: {  	[tilespmem:v4+s17+$0x0] =	vst.idx.add.f32.msk $0xffff, v6;
	v4 =	vnsel vm0, $0x0, v6  }
0x56: {  	s23 =	sshra.s32 s22, $0x2;
	s22 =	sadd.s32 $0x40, s22;
	[tilespmem:v5+s18+$0x0] =	vst.idx.add.f32.msk $0xffff, v4  }
0x57: {  	v4 =	vld [tilespmem:s23+$0x0];
	_ =	sdelay $0x4  }
0x58: {  	v3 =	vsub.f32 v4, v3;
	_ =	sdelay $0x1  }
0x59: {  	v3 =	vmul.f32 $1.442695020e+00, v3;
	_ =	sdelay $0x1  }
0x5a: {  	(erf) = vpow2.f32 v3;
	_ =	sdelay $0x1  }
0x5b: {  	v3 =	vld [tilespmem:s23+$0x1500]  }
0x5c: {  	v63 =	vld [tilespmem:s23+$0xA80];
	_ =	sdelay $0x5  }
0x5d: {  	vm0 =	veq.s32 v3, $0x0;
	v5 =	vpop (erf)  }
0x5e: {  	[tilespmem:v3+s17+$0x0] =	vst.idx.add.f32.msk $0xffff, v5;
	v3 =	vnsel vm0, $0x0, v5  }
0x5f: {  	[tilespmem:v63+s18+$0x0] =	vst.idx.add.f32.msk $0xffff, v3  }
0x60: {  	[hbm4b:s10+s19] =	stream.strided.scatter [tilespmem:s17], [sflag:$0x1], $0x2780, s20, s19, $0x38;
	[tilespmem:$0x6F00] =	vst v63  }
0x61: {  	s21 =	sadd.s32 $0x1, s21;
	_ =	swait.ge [sflag:s13], $0x2780  }
0x62: {  	p1 =	sne.s32 s21, s12;
	[sflag:s13] =	ssyncset.done $0x0  }
.Ltmp2:
0x63: {  	[sflag:s13] =	ssyncadd.s32 $0xFFFFD880;
	(pc) =	sbr.rel @p1 .LBB2_1-.Ltmp2, $4  }
0x64: {  	[hbm4b:s11+s19] =	stream.strided.scatter [tilespmem:s18], [sflag:$0x1], $0x2780, s20, s19, $0x38;
	[tilespmem:$0x6F00] =	vst v63  }
0x65: {  	_ =	swait.ge [sflag:s13], $0x2780  }
0x66: {  	[sflag:s13] =	ssyncset.done $0x0  }
0x67: {  	[sflag:s13] =	ssyncadd.s32 $0xFFFFD880  }
0x68: {  	_ =	sfence.sel $0x180000  }
0x69: {  	[bflag:$0x0] =	sbarrier.arrive $0xFFFF  }
0x6a: {  	p0 =	sne.s32 s0, $0x0;
	_ =	strace $0x90000047  }
0x6b: {  	s0 =	sadd.s32 @!p0 $0x100000, s1;
	[bflag:$0x2] =	sbarrier.arrive $0xFFFF  }
0x6c: {  	[sflag:s0] =	ssyncadd.tile.s32 @!p0 $0x1;
	_ =	shalt  }
.Lfunc_end2:
_tile_overlayer_lowered:
.L_overlay_start_2:
0x6d: {  	(tag) =	ssettag $0x2  }
0x6e: {  	s0 =	rddreg [dreg:$0x0];
	s2 =	stileid.u32  }
0x6f: {  	s1 =	rddreg [dreg:$0x1];
	p0 =	sne.s32 s2, $0x0  }
0x70: {  	s3 =	rddreg [dreg:$0x2];
	[bflag:$0x3] =	sbarrier.arrive $0xFFFF;
	s2 =	simm.s32 @!p0 $0x1C01  }
0x71: {  	[timem:s3], [sflag:s2] =	dma.local @!p0 [hbm:s0], s1  }
0x72: {  	s0 =	simm.s32 @!p0 $0x1  }
0x73: {  	_ =	swait.ge @!p0 [sflag:s0], s1  }
0x74: {  	s1 =	ssub.s32 @!p0 $0x0, s1;
	[sflag:s0] =	ssyncset.done @!p0 $0x0  }
0x75: {  	[sflag:s0] =	ssyncadd.s32 @!p0 s1  }
0x76: {  	[bflag:$0x3] =	sbarrier.arrive $0xFFFF  }
0x77: {  	_ =	shalt  }

</sc_bundles>
